<compile_context>
chip_gen: v7x
topology: tpu7x:2x2x1
jax: 0.10.2.dev20260603
libtpu: 0.0.44.dev20260713+nightly
codegen_flags: <defaults>
</compile_context>

<pallas_src>
import functools

import jax
import jax.numpy as jnp
from jax import lax
from jax.experimental import pallas as pl
from jax.experimental.pallas import tpu as pltpu
from jax.experimental.pallas import tpu_sc as plsc

D_MODEL = 64
_NC = 2
_NS = 16
_NW = _NC * _NS
_SUB = 128
_K = 5
_CHUNK = _K * _SUB


@functools.partial(jax.jit, static_argnames=("n_iter",))
def _gather(table, idx1d, n_iter):
    b = idx1d.shape[0]
    b_per_w = b // _NW
    mesh = plsc.VectorSubcoreMesh(core_axis_name="c", subcore_axis_name="s")

    @functools.partial(
        pl.kernel,
        mesh=mesh,
        compiler_params=pltpu.CompilerParams(use_tc_tiling_on_sc=False),
        out_type=jax.ShapeDtypeStruct((b, 2 * D_MODEL), jnp.float32),
        scratch_types=[
            pltpu.VMEM((2, _CHUNK), jnp.int32),
            pltpu.VMEM((2, _CHUNK, D_MODEL), jnp.float32),
            pltpu.SemaphoreType.DMA,
            pltpu.SemaphoreType.DMA,
            pltpu.SemaphoreType.DMA,
            pltpu.SemaphoreType.DMA,
        ],
    )
    def gather_kernel(table_hbm, idx_hbm, out_hbm, idx_v, rows_v,
                      sg0, sg1, si0, si1):
        sems = (sg0, sg1)
        isems = (si0, si1)
        wid = lax.axis_index("s") * _NC + lax.axis_index("c")
        base = wid * b_per_w
        last = b - _CHUNK

        def stage(i, p):
            off = pl.multiple_of(lax.min(base + i * _CHUNK, last), _CHUNK)
            pltpu.async_copy(idx_hbm.at[pl.ds(off, _CHUNK)], idx_v.at[p],
                             isems[p])

        def stage_wait(p):
            pltpu.make_async_copy(
                idx_hbm.at[pl.ds(0, _CHUNK)], idx_v.at[p], isems[p]
            ).wait()

        def fire(p):
            for j in range(_K):
                pltpu.async_copy(
                    table_hbm.at[idx_v.at[p, pl.ds(j * _SUB, _SUB)]],
                    rows_v.at[p, pl.ds(j * _SUB, _SUB)],
                    sems[p],
                )

        def drain(p):
            pltpu.make_async_copy(
                table_hbm.at[pl.ds(0, _CHUNK)], rows_v.at[p], sems[p]
            ).wait()

        stage(0, 0)
        stage_wait(0)
        fire(0)
        stage(1, 1)

        def body(t, carry):
            for p in (0, 1):
                i = 2 * t + p
                drain(p)
                stage_wait(p ^ 1)
                fire(p ^ 1)
                stage(i + 2, p)
                off = pl.multiple_of(base + i * _CHUNK, _CHUNK)
                pltpu.sync_copy(
                    rows_v.at[p],
                    out_hbm.at[pl.ds(off, _CHUNK), pl.ds(0, D_MODEL)],
                )
            return carry

        lax.fori_loop(0, n_iter // 2, body, 0)
        drain(0)
        stage_wait(1)

    return gather_kernel(table, idx1d)


def kernel(x, table):
    s0, s1 = x.shape
    b = s0 * s1
    idx1d = x.reshape(-1).astype(jnp.int32)
    n_iter = b // (_NW * _CHUNK)
    out128 = _gather(table, idx1d, n_iter)
    return out128.reshape(s0, s1, 2 * D_MODEL)[:, :, :D_MODEL]

# --- scband reference (transcript-rebuilt; emitter-appended) ---
"""Pipeline reference for scband-custom-embed-35854386987471 (READ-ONLY COPY).

The authoritative reference and input builder live on the scoring server;
editing this copy changes nothing except your own understanding.
"""

import jax, jax.numpy as jnp
import numpy as np

EMBED_SIZE = 1000000
D_MODEL = 64

def setup_inputs(seed: int = 0) -> dict:
    key = jax.random.key(seed)
    k1, k2 = jax.random.split(key)
    x = jax.random.randint(k1, (16384, 200), 0, EMBED_SIZE, dtype=jnp.int64)
    table = jax.random.normal(k2, (EMBED_SIZE, D_MODEL), dtype=jnp.float32)
    return {"x": x, "table": table}

def reference(x, table):
    # Equivalent of nn.Embedding(embed_size, d_model)(x)
    return jnp.take(table, x, axis=0)

if __name__ == "__main__":
    import jax
    _d = setup_inputs()
    print(jax.jit(kernel)(*tuple(_d.values())))

</pallas_src>

<mosaic_0001>
#map = affine_map<(d0, d1) -> (0, 0)>
#map1 = affine_map<(d0, d1) -> (0)>
module attributes {stable_mosaic.version = 14 : i64} {
  func.func @gather_kernel(%arg0: i32, %arg1: i32, %arg2: memref<1000000x64xf32, #tpu.memory_space<hbm>>, %arg3: memref<3276800xi32, #tpu.memory_space<hbm>>, %arg4: memref<3276800x128xf32, #tpu.memory_space<hbm>>, %arg5: memref<2x640xi32, #tpu.memory_space<vmem>>, %arg6: memref<2x640x64xf32, #tpu.memory_space<vmem>>, %arg7: memref<!tpu.dma_semaphore, #tpu.memory_space<semaphore_mem>>, %arg8: memref<!tpu.dma_semaphore, #tpu.memory_space<semaphore_mem>>, %arg9: memref<!tpu.dma_semaphore, #tpu.memory_space<semaphore_mem>>, %arg10: memref<!tpu.dma_semaphore, #tpu.memory_space<semaphore_mem>>) attributes {dimension_semantics = [#tpu.dimension_semantics<core_parallel>, #tpu.dimension_semantics<subcore_parallel>], iteration_bounds = array<i64: 2, 16>, scalar_prefetch = 0 : i64, scratch_operands = 6 : i64, tpu.core_type = #tpu.core_type<sc_vector_subcore>, window_params = [{transform_indices = #map}, {transform_indices = #map1}, {transform_indices = #map}]} {
    %mul3A = arith.constant 2 : i32
    %mul3A_0 = arith.muli %arg1, %mul3A : i32
    %add3A = arith.addi %mul3A_0, %arg0 : i32
    %mul3A_1 = arith.constant 102400 : i32
    %mul3A_2 = arith.muli %add3A, %mul3A_1 : i32
    %add3A_3 = arith.constant 0 : i32
    %add3A_4 = arith.addi %mul3A_2, %add3A_3 : i32
    %min3A = arith.constant 3276160 : i32
    %min3A_5 = arith.minsi %add3A_4, %min3A : i32
    %multiple_of3A = tpu.assume_multiple %min3A_5, 640 : i32
    %dma_start3A = arith.constant 0 : i32
    %dma_start3A_6 = arith.constant 0 : i32
    %dma_start3A_7 = tpu.memref_slice %arg5[%dma_start3A, %dma_start3A_6] : memref<2x640xi32, #tpu.memory_space<vmem>> -> memref<1x640xi32, #tpu.memory_space<vmem>>
    %dma_start3A_8 = tpu.memref_squeeze %dma_start3A_7 : memref<1x640xi32, #tpu.memory_space<vmem>> -> memref<640xi32, #tpu.memory_space<vmem>>
    %dma_start3A_9 = tpu.memref_slice %arg3[%multiple_of3A] : memref<3276800xi32, #tpu.memory_space<hbm>> -> memref<640xi32, #tpu.memory_space<hbm>>
    %dma_start3A_10 = arith.constant 0 : i32
    %dma_start3A_11 = tpu.memref_slice %arg5[%dma_start3A, %dma_start3A_10] : memref<2x640xi32, #tpu.memory_space<vmem>> -> memref<1x640xi32, #tpu.memory_space<vmem>>
    %dma_start3A_12 = tpu.memref_squeeze %dma_start3A_11 : memref<1x640xi32, #tpu.memory_space<vmem>> -> memref<640xi32, #tpu.memory_space<vmem>>
    %dma_start3A_13 = tpu.memref_slice %arg3[%multiple_of3A] : memref<3276800xi32, #tpu.memory_space<hbm>> -> memref<640xi32, #tpu.memory_space<hbm>>
    tpu.enqueue_dma source(%dma_start3A_13 : memref<640xi32, #tpu.memory_space<hbm>>) target(%dma_start3A_12 : memref<640xi32, #tpu.memory_space<vmem>>) target_semaphore(%arg9 : memref<!tpu.dma_semaphore, #tpu.memory_space<semaphore_mem>>)
    %dma_wait3A = arith.constant 0 : i32
    %dma_wait3A_14 = arith.constant 0 : i32
    %dma_wait3A_15 = tpu.memref_slice %arg5[%dma_wait3A, %dma_wait3A_14] : memref<2x640xi32, #tpu.memory_space<vmem>> -> memref<1x640xi32, #tpu.memory_space<vmem>>
    %dma_wait3A_16 = tpu.memref_squeeze %dma_wait3A_15 : memref<1x640xi32, #tpu.memory_space<vmem>> -> memref<640xi32, #tpu.memory_space<vmem>>
    %dma_wait3A_17 = arith.constant 0 : i32
    %dma_wait3A_18 = tpu.memref_slice %arg3[%dma_wait3A_17] : memref<3276800xi32, #tpu.memory_space<hbm>> -> memref<640xi32, #tpu.memory_space<hbm>>
    %dma_wait3A_19 = arith.constant 0 : i32
    %dma_wait3A_20 = tpu.memref_slice %arg5[%dma_wait3A, %dma_wait3A_19] : memref<2x640xi32, #tpu.memory_space<vmem>> -> memref<1x640xi32, #tpu.memory_space<vmem>>
    %dma_wait3A_21 = tpu.memref_squeeze %dma_wait3A_20 : memref<1x640xi32, #tpu.memory_space<vmem>> -> memref<640xi32, #tpu.memory_space<vmem>>
    %dma_wait3A_22 = arith.constant 0 : i32
    %dma_wait3A_23 = tpu.memref_slice %arg3[%dma_wait3A_22] : memref<3276800xi32, #tpu.memory_space<hbm>> -> memref<640xi32, #tpu.memory_space<hbm>>
    tpu.wait_dma2 semaphore(%arg9 : memref<!tpu.dma_semaphore, #tpu.memory_space<semaphore_mem>>) src(%dma_wait3A_23 : memref<640xi32, #tpu.memory_space<hbm>>) dst(%dma_wait3A_21 : memref<640xi32, #tpu.memory_space<vmem>>)
    %dma_start3A_24 = arith.constant 0 : i32
    %dma_start3A_25 = arith.constant 0 : i32
    %dma_start3A_26 = arith.constant 0 : i32
    %dma_start3A_27 = arith.constant 0 : i32
    %dma_start3A_28 = tpu.memref_slice %arg6[%dma_start3A_25, %dma_start3A_26, %dma_start3A_27] : memref<2x640x64xf32, #tpu.memory_space<vmem>> -> memref<1x128x64xf32, #tpu.memory_space<vmem>>
    %dma_start3A_29 = tpu.memref_squeeze %dma_start3A_28 : memref<1x128x64xf32, #tpu.memory_space<vmem>> -> memref<128x64xf32, #tpu.memory_space<vmem>>
    %dma_start3A_30 = arith.constant 0 : i32
    %dma_start3A_31 = tpu.memref_slice %arg5[%dma_start3A_24, %dma_start3A_30] : memref<2x640xi32, #tpu.memory_space<vmem>> -> memref<1x128xi32, #tpu.memory_space<vmem>>
    %dma_start3A_32 = tpu.memref_squeeze %dma_start3A_31 : memref<1x128xi32, #tpu.memory_space<vmem>> -> memref<128xi32, #tpu.memory_space<vmem>>
    %dma_start3A_33 = arith.constant 0 : i32
    %dma_start3A_34 = arith.constant 0 : i32
    %dma_start3A_35 = tpu.memref_slice %arg2[%dma_start3A_33, %dma_start3A_34] : memref<1000000x64xf32, #tpu.memory_space<hbm>> -> memref<1000000x64xf32, #tpu.memory_space<hbm>>
    tpu.enqueue_indirect_dma source(%dma_start3A_35 : memref<1000000x64xf32, #tpu.memory_space<hbm>>) target(%dma_start3A_29 : memref<128x64xf32, #tpu.memory_space<vmem>>) offsets(%dma_start3A_32 : memref<128xi32, #tpu.memory_space<vmem>>) semaphore(%arg7 : memref<!tpu.dma_semaphore, #tpu.memory_space<semaphore_mem>>)
    %dma_start3A_36 = arith.constant 0 : i32
    %dma_start3A_37 = arith.constant 0 : i32
    %dma_start3A_38 = arith.constant 128 : i32
    %dma_start3A_39 = arith.constant 0 : i32
    %dma_start3A_40 = tpu.memref_slice %arg6[%dma_start3A_37, %dma_start3A_38, %dma_start3A_39] : memref<2x640x64xf32, #tpu.memory_space<vmem>> -> memref<1x128x64xf32, #tpu.memory_space<vmem>>
    %dma_start3A_41 = tpu.memref_squeeze %dma_start3A_40 : memref<1x128x64xf32, #tpu.memory_space<vmem>> -> memref<128x64xf32, #tpu.memory_space<vmem>>
    %dma_start3A_42 = arith.constant 128 : i32
    %dma_start3A_43 = tpu.memref_slice %arg5[%dma_start3A_36, %dma_start3A_42] : memref<2x640xi32, #tpu.memory_space<vmem>> -> memref<1x128xi32, #tpu.memory_space<vmem>>
    %dma_start3A_44 = tpu.memref_squeeze %dma_start3A_43 : memref<1x128xi32, #tpu.memory_space<vmem>> -> memref<128xi32, #tpu.memory_space<vmem>>
    %dma_start3A_45 = arith.constant 0 : i32
    %dma_start3A_46 = arith.constant 0 : i32
    %dma_start3A_47 = tpu.memref_slice %arg2[%dma_start3A_45, %dma_start3A_46] : memref<1000000x64xf32, #tpu.memory_space<hbm>> -> memref<1000000x64xf32, #tpu.memory_space<hbm>>
    tpu.enqueue_indirect_dma source(%dma_start3A_47 : memref<1000000x64xf32, #tpu.memory_space<hbm>>) target(%dma_start3A_41 : memref<128x64xf32, #tpu.memory_space<vmem>>) offsets(%dma_start3A_44 : memref<128xi32, #tpu.memory_space<vmem>>) semaphore(%arg7 : memref<!tpu.dma_semaphore, #tpu.memory_space<semaphore_mem>>)
    %dma_start3A_48 = arith.constant 0 : i32
    %dma_start3A_49 = arith.constant 0 : i32
    %dma_start3A_50 = arith.constant 256 : i32
    %dma_start3A_51 = arith.constant 0 : i32
    %dma_start3A_52 = tpu.memref_slice %arg6[%dma_start3A_49, %dma_start3A_50, %dma_start3A_51] : memref<2x640x64xf32, #tpu.memory_space<vmem>> -> memref<1x128x64xf32, #tpu.memory_space<vmem>>
    %dma_start3A_53 = tpu.memref_squeeze %dma_start3A_52 : memref<1x128x64xf32, #tpu.memory_space<vmem>> -> memref<128x64xf32, #tpu.memory_space<vmem>>
    %dma_start3A_54 = arith.constant 256 : i32
    %dma_start3A_55 = tpu.memref_slice %arg5[%dma_start3A_48, %dma_start3A_54] : memref<2x640xi32, #tpu.memory_space<vmem>> -> memref<1x128xi32, #tpu.memory_space<vmem>>
    %dma_start3A_56 = tpu.memref_squeeze %dma_start3A_55 : memref<1x128xi32, #tpu.memory_space<vmem>> -> memref<128xi32, #tpu.memory_space<vmem>>
    %dma_start3A_57 = arith.constant 0 : i32
    %dma_start3A_58 = arith.constant 0 : i32
    %dma_start3A_59 = tpu.memref_slice %arg2[%dma_start3A_57, %dma_start3A_58] : memref<1000000x64xf32, #tpu.memory_space<hbm>> -> memref<1000000x64xf32, #tpu.memory_space<hbm>>
    tpu.enqueue_indirect_dma source(%dma_start3A_59 : memref<1000000x64xf32, #tpu.memory_space<hbm>>) target(%dma_start3A_53 : memref<128x64xf32, #tpu.memory_space<vmem>>) offsets(%dma_start3A_56 : memref<128xi32, #tpu.memory_space<vmem>>) semaphore(%arg7 : memref<!tpu.dma_semaphore, #tpu.memory_space<semaphore_mem>>)
    %dma_start3A_60 = arith.constant 0 : i32
    %dma_start3A_61 = arith.constant 0 : i32
    %dma_start3A_62 = arith.constant 384 : i32
    %dma_start3A_63 = arith.constant 0 : i32
    %dma_start3A_64 = tpu.memref_slice %arg6[%dma_start3A_61, %dma_start3A_62, %dma_start3A_63] : memref<2x640x64xf32, #tpu.memory_space<vmem>> -> memref<1x128x64xf32, #tpu.memory_space<vmem>>
    %dma_start3A_65 = tpu.memref_squeeze %dma_start3A_64 : memref<1x128x64xf32, #tpu.memory_space<vmem>> -> memref<128x64xf32, #tpu.memory_space<vmem>>
    %dma_start3A_66 = arith.constant 384 : i32
    %dma_start3A_67 = tpu.memref_slice %arg5[%dma_start3A_60, %dma_start3A_66] : memref<2x640xi32, #tpu.memory_space<vmem>> -> memref<1x128xi32, #tpu.memory_space<vmem>>
    %dma_start3A_68 = tpu.memref_squeeze %dma_start3A_67 : memref<1x128xi32, #tpu.memory_space<vmem>> -> memref<128xi32, #tpu.memory_space<vmem>>
    %dma_start3A_69 = arith.constant 0 : i32
    %dma_start3A_70 = arith.constant 0 : i32
    %dma_start3A_71 = tpu.memref_slice %arg2[%dma_start3A_69, %dma_start3A_70] : memref<1000000x64xf32, #tpu.memory_space<hbm>> -> memref<1000000x64xf32, #tpu.memory_space<hbm>>
    tpu.enqueue_indirect_dma source(%dma_start3A_71 : memref<1000000x64xf32, #tpu.memory_space<hbm>>) target(%dma_start3A_65 : memref<128x64xf32, #tpu.memory_space<vmem>>) offsets(%dma_start3A_68 : memref<128xi32, #tpu.memory_space<vmem>>) semaphore(%arg7 : memref<!tpu.dma_semaphore, #tpu.memory_space<semaphore_mem>>)
    %dma_start3A_72 = arith.constant 0 : i32
    %dma_start3A_73 = arith.constant 0 : i32
    %dma_start3A_74 = arith.constant 512 : i32
    %dma_start3A_75 = arith.constant 0 : i32
    %dma_start3A_76 = tpu.memref_slice %arg6[%dma_start3A_73, %dma_start3A_74, %dma_start3A_75] : memref<2x640x64xf32, #tpu.memory_space<vmem>> -> memref<1x128x64xf32, #tpu.memory_space<vmem>>
    %dma_start3A_77 = tpu.memref_squeeze %dma_start3A_76 : memref<1x128x64xf32, #tpu.memory_space<vmem>> -> memref<128x64xf32, #tpu.memory_space<vmem>>
    %dma_start3A_78 = arith.constant 512 : i32
    %dma_start3A_79 = tpu.memref_slice %arg5[%dma_start3A_72, %dma_start3A_78] : memref<2x640xi32, #tpu.memory_space<vmem>> -> memref<1x128xi32, #tpu.memory_space<vmem>>
    %dma_start3A_80 = tpu.memref_squeeze %dma_start3A_79 : memref<1x128xi32, #tpu.memory_space<vmem>> -> memref<128xi32, #tpu.memory_space<vmem>>
    %dma_start3A_81 = arith.constant 0 : i32
    %dma_start3A_82 = arith.constant 0 : i32
    %dma_start3A_83 = tpu.memref_slice %arg2[%dma_start3A_81, %dma_start3A_82] : memref<1000000x64xf32, #tpu.memory_space<hbm>> -> memref<1000000x64xf32, #tpu.memory_space<hbm>>
    tpu.enqueue_indirect_dma source(%dma_start3A_83 : memref<1000000x64xf32, #tpu.memory_space<hbm>>) target(%dma_start3A_77 : memref<128x64xf32, #tpu.memory_space<vmem>>) offsets(%dma_start3A_80 : memref<128xi32, #tpu.memory_space<vmem>>) semaphore(%arg7 : memref<!tpu.dma_semaphore, #tpu.memory_space<semaphore_mem>>)
    %add3A_84 = arith.constant 640 : i32
    %add3A_85 = arith.addi %mul3A_2, %add3A_84 : i32
    %min3A_86 = arith.constant 3276160 : i32
    %min3A_87 = arith.minsi %add3A_85, %min3A_86 : i32
    %multiple_of3A_88 = tpu.assume_multiple %min3A_87, 640 : i32
    %dma_start3A_89 = arith.constant 1 : i32
    %dma_start3A_90 = arith.constant 0 : i32
    %dma_start3A_91 = tpu.memref_slice %arg5[%dma_start3A_89, %dma_start3A_90] : memref<2x640xi32, #tpu.memory_space<vmem>> -> memref<1x640xi32, #tpu.memory_space<vmem>>
    %dma_start3A_92 = tpu.memref_squeeze %dma_start3A_91 : memref<1x640xi32, #tpu.memory_space<vmem>> -> memref<640xi32, #tpu.memory_space<vmem>>
    %dma_start3A_93 = tpu.memref_slice %arg3[%multiple_of3A_88] : memref<3276800xi32, #tpu.memory_space<hbm>> -> memref<640xi32, #tpu.memory_space<hbm>>
    %dma_start3A_94 = arith.constant 0 : i32
    %dma_start3A_95 = tpu.memref_slice %arg5[%dma_start3A_89, %dma_start3A_94] : memref<2x640xi32, #tpu.memory_space<vmem>> -> memref<1x640xi32, #tpu.memory_space<vmem>>
    %dma_start3A_96 = tpu.memref_squeeze %dma_start3A_95 : memref<1x640xi32, #tpu.memory_space<vmem>> -> memref<640xi32, #tpu.memory_space<vmem>>
    %dma_start3A_97 = tpu.memref_slice %arg3[%multiple_of3A_88] : memref<3276800xi32, #tpu.memory_space<hbm>> -> memref<640xi32, #tpu.memory_space<hbm>>
    tpu.enqueue_dma source(%dma_start3A_97 : memref<640xi32, #tpu.memory_space<hbm>>) target(%dma_start3A_96 : memref<640xi32, #tpu.memory_space<vmem>>) target_semaphore(%arg10 : memref<!tpu.dma_semaphore, #tpu.memory_space<semaphore_mem>>)
    %scan3A = arith.constant 0 : i32
    %scan3A_98 = arith.constant 0 : i32
    %scan3A_99 = arith.constant 80 : i32
    %scan3A_100 = arith.addi %scan3A_98, %scan3A_99 : i32
    %scan3A_101 = arith.constant 1 : i32
    scf.for %scan3A_129 = %scan3A_98 to %scan3A_100 step %scan3A_101  : i32 {
      %mul3A_130 = arith.constant 2 : i32
      %mul3A_131 = arith.muli %mul3A_130, %scan3A_129 : i32
      %add3A_132 = arith.constant 0 : i32
      %add3A_133 = arith.addi %mul3A_131, %add3A_132 : i32
      %dma_wait3A_134 = arith.constant 0 : i32
      %dma_wait3A_135 = arith.constant 0 : i32
      %dma_wait3A_136 = arith.constant 0 : i32
      %dma_wait3A_137 = tpu.memref_slice %arg6[%dma_wait3A_134, %dma_wait3A_135, %dma_wait3A_136] : memref<2x640x64xf32, #tpu.memory_space<vmem>> -> memref<1x640x64xf32, #tpu.memory_space<vmem>>
      %dma_wait3A_138 = tpu.memref_squeeze %dma_wait3A_137 : memref<1x640x64xf32, #tpu.memory_space<vmem>> -> memref<640x64xf32, #tpu.memory_space<vmem>>
      %dma_wait3A_139 = arith.constant 0 : i32
      %dma_wait3A_140 = arith.constant 0 : i32
      %dma_wait3A_141 = tpu.memref_slice %arg2[%dma_wait3A_139, %dma_wait3A_140] : memref<1000000x64xf32, #tpu.memory_space<hbm>> -> memref<640x64xf32, #tpu.memory_space<hbm>>
      %dma_wait3A_142 = arith.constant 0 : i32
      %dma_wait3A_143 = arith.constant 0 : i32
      %dma_wait3A_144 = tpu.memref_slice %arg6[%dma_wait3A_134, %dma_wait3A_142, %dma_wait3A_143] : memref<2x640x64xf32, #tpu.memory_space<vmem>> -> memref<1x640x64xf32, #tpu.memory_space<vmem>>
      %dma_wait3A_145 = tpu.memref_squeeze %dma_wait3A_144 : memref<1x640x64xf32, #tpu.memory_space<vmem>> -> memref<640x64xf32, #tpu.memory_space<vmem>>
      %dma_wait3A_146 = arith.constant 0 : i32
      %dma_wait3A_147 = arith.constant 0 : i32
      %dma_wait3A_148 = tpu.memref_slice %arg2[%dma_wait3A_146, %dma_wait3A_147] : memref<1000000x64xf32, #tpu.memory_space<hbm>> -> memref<640x64xf32, #tpu.memory_space<hbm>>
      tpu.wait_dma2 semaphore(%arg7 : memref<!tpu.dma_semaphore, #tpu.memory_space<semaphore_mem>>) src(%dma_wait3A_148 : memref<640x64xf32, #tpu.memory_space<hbm>>) dst(%dma_wait3A_145 : memref<640x64xf32, #tpu.memory_space<vmem>>)
      %dma_wait3A_149 = arith.constant 1 : i32
      %dma_wait3A_150 = arith.constant 0 : i32
      %dma_wait3A_151 = tpu.memref_slice %arg5[%dma_wait3A_149, %dma_wait3A_150] : memref<2x640xi32, #tpu.memory_space<vmem>> -> memref<1x640xi32, #tpu.memory_space<vmem>>
      %dma_wait3A_152 = tpu.memref_squeeze %dma_wait3A_151 : memref<1x640xi32, #tpu.memory_space<vmem>> -> memref<640xi32, #tpu.memory_space<vmem>>
      %dma_wait3A_153 = arith.constant 0 : i32
      %dma_wait3A_154 = tpu.memref_slice %arg3[%dma_wait3A_153] : memref<3276800xi32, #tpu.memory_space<hbm>> -> memref<640xi32, #tpu.memory_space<hbm>>
      %dma_wait3A_155 = arith.constant 0 : i32
      %dma_wait3A_156 = tpu.memref_slice %arg5[%dma_wait3A_149, %dma_wait3A_155] : memref<2x640xi32, #tpu.memory_space<vmem>> -> memref<1x640xi32, #tpu.memory_space<vmem>>
      %dma_wait3A_157 = tpu.memref_squeeze %dma_wait3A_156 : memref<1x640xi32, #tpu.memory_space<vmem>> -> memref<640xi32, #tpu.memory_space<vmem>>
      %dma_wait3A_158 = arith.constant 0 : i32
      %dma_wait3A_159 = tpu.memref_slice %arg3[%dma_wait3A_158] : memref<3276800xi32, #tpu.memory_space<hbm>> -> memref<640xi32, #tpu.memory_space<hbm>>
      tpu.wait_dma2 semaphore(%arg10 : memref<!tpu.dma_semaphore, #tpu.memory_space<semaphore_mem>>) src(%dma_wait3A_159 : memref<640xi32, #tpu.memory_space<hbm>>) dst(%dma_wait3A_157 : memref<640xi32, #tpu.memory_space<vmem>>)
      %dma_start3A_160 = arith.constant 1 : i32
      %dma_start3A_161 = arith.constant 1 : i32
      %dma_start3A_162 = arith.constant 0 : i32
      %dma_start3A_163 = arith.constant 0 : i32
      %dma_start3A_164 = tpu.memref_slice %arg6[%dma_start3A_161, %dma_start3A_162, %dma_start3A_163] : memref<2x640x64xf32, #tpu.memory_space<vmem>> -> memref<1x128x64xf32, #tpu.memory_space<vmem>>
      %dma_start3A_165 = tpu.memref_squeeze %dma_start3A_164 : memref<1x128x64xf32, #tpu.memory_space<vmem>> -> memref<128x64xf32, #tpu.memory_space<vmem>>
      %dma_start3A_166 = arith.constant 0 : i32
      %dma_start3A_167 = tpu.memref_slice %arg5[%dma_start3A_160, %dma_start3A_166] : memref<2x640xi32, #tpu.memory_space<vmem>> -> memref<1x128xi32, #tpu.memory_space<vmem>>
      %dma_start3A_168 = tpu.memref_squeeze %dma_start3A_167 : memref<1x128xi32, #tpu.memory_space<vmem>> -> memref<128xi32, #tpu.memory_space<vmem>>
      %dma_start3A_169 = arith.constant 0 : i32
      %dma_start3A_170 = arith.constant 0 : i32
      %dma_start3A_171 = tpu.memref_slice %arg2[%dma_start3A_169, %dma_start3A_170] : memref<1000000x64xf32, #tpu.memory_space<hbm>> -> memref<1000000x64xf32, #tpu.memory_space<hbm>>
      tpu.enqueue_indirect_dma source(%dma_start3A_171 : memref<1000000x64xf32, #tpu.memory_space<hbm>>) target(%dma_start3A_165 : memref<128x64xf32, #tpu.memory_space<vmem>>) offsets(%dma_start3A_168 : memref<128xi32, #tpu.memory_space<vmem>>) semaphore(%arg8 : memref<!tpu.dma_semaphore, #tpu.memory_space<semaphore_mem>>)
      %dma_start3A_172 = arith.constant 1 : i32
      %dma_start3A_173 = arith.constant 1 : i32
      %dma_start3A_174 = arith.constant 128 : i32
      %dma_start3A_175 = arith.constant 0 : i32
      %dma_start3A_176 = tpu.memref_slice %arg6[%dma_start3A_173, %dma_start3A_174, %dma_start3A_175] : memref<2x640x64xf32, #tpu.memory_space<vmem>> -> memref<1x128x64xf32, #tpu.memory_space<vmem>>
      %dma_start3A_177 = tpu.memref_squeeze %dma_start3A_176 : memref<1x128x64xf32, #tpu.memory_space<vmem>> -> memref<128x64xf32, #tpu.memory_space<vmem>>
      %dma_start3A_178 = arith.constant 128 : i32
      %dma_start3A_179 = tpu.memref_slice %arg5[%dma_start3A_172, %dma_start3A_178] : memref<2x640xi32, #tpu.memory_space<vmem>> -> memref<1x128xi32, #tpu.memory_space<vmem>>
      %dma_start3A_180 = tpu.memref_squeeze %dma_start3A_179 : memref<1x128xi32, #tpu.memory_space<vmem>> -> memref<128xi32, #tpu.memory_space<vmem>>
      %dma_start3A_181 = arith.constant 0 : i32
      %dma_start3A_182 = arith.constant 0 : i32
      %dma_start3A_183 = tpu.memref_slice %arg2[%dma_start3A_181, %dma_start3A_182] : memref<1000000x64xf32, #tpu.memory_space<hbm>> -> memref<1000000x64xf32, #tpu.memory_space<hbm>>
      tpu.enqueue_indirect_dma source(%dma_start3A_183 : memref<1000000x64xf32, #tpu.memory_space<hbm>>) target(%dma_start3A_177 : memref<128x64xf32, #tpu.memory_space<vmem>>) offsets(%dma_start3A_180 : memref<128xi32, #tpu.memory_space<vmem>>) semaphore(%arg8 : memref<!tpu.dma_semaphore, #tpu.memory_space<semaphore_mem>>)
      %dma_start3A_184 = arith.constant 1 : i32
      %dma_start3A_185 = arith.constant 1 : i32
      %dma_start3A_186 = arith.constant 256 : i32
      %dma_start3A_187 = arith.constant 0 : i32
      %dma_start3A_188 = tpu.memref_slice %arg6[%dma_start3A_185, %dma_start3A_186, %dma_start3A_187] : memref<2x640x64xf32, #tpu.memory_space<vmem>> -> memref<1x128x64xf32, #tpu.memory_space<vmem>>
      %dma_start3A_189 = tpu.memref_squeeze %dma_start3A_188 : memref<1x128x64xf32, #tpu.memory_space<vmem>> -> memref<128x64xf32, #tpu.memory_space<vmem>>
      %dma_start3A_190 = arith.constant 256 : i32
      %dma_start3A_191 = tpu.memref_slice %arg5[%dma_start3A_184, %dma_start3A_190] : memref<2x640xi32, #tpu.memory_space<vmem>> -> memref<1x128xi32, #tpu.memory_space<vmem>>
      %dma_start3A_192 = tpu.memref_squeeze %dma_start3A_191 : memref<1x128xi32, #tpu.memory_space<vmem>> -> memref<128xi32, #tpu.memory_space<vmem>>
      %dma_start3A_193 = arith.constant 0 : i32
      %dma_start3A_194 = arith.constant 0 : i32
      %dma_start3A_195 = tpu.memref_slice %arg2[%dma_start3A_193, %dma_start3A_194] : memref<1000000x64xf32, #tpu.memory_space<hbm>> -> memref<1000000x64xf32, #tpu.memory_space<hbm>>
      tpu.enqueue_indirect_dma source(%dma_start3A_195 : memref<1000000x64xf32, #tpu.memory_space<hbm>>) target(%dma_start3A_189 : memref<128x64xf32, #tpu.memory_space<vmem>>) offsets(%dma_start3A_192 : memref<128xi32, #tpu.memory_space<vmem>>) semaphore(%arg8 : memref<!tpu.dma_semaphore, #tpu.memory_space<semaphore_mem>>)
      %dma_start3A_196 = arith.constant 1 : i32
      %dma_start3A_197 = arith.constant 1 : i32
      %dma_start3A_198 = arith.constant 384 : i32
      %dma_start3A_199 = arith.constant 0 : i32
      %dma_start3A_200 = tpu.memref_slice %arg6[%dma_start3A_197, %dma_start3A_198, %dma_start3A_199] : memref<2x640x64xf32, #tpu.memory_space<vmem>> -> memref<1x128x64xf32, #tpu.memory_space<vmem>>
      %dma_start3A_201 = tpu.memref_squeeze %dma_start3A_200 : memref<1x128x64xf32, #tpu.memory_space<vmem>> -> memref<128x64xf32, #tpu.memory_space<vmem>>
      %dma_start3A_202 = arith.constant 384 : i32
      %dma_start3A_203 = tpu.memref_slice %arg5[%dma_start3A_196, %dma_start3A_202] : memref<2x640xi32, #tpu.memory_space<vmem>> -> memref<1x128xi32, #tpu.memory_space<vmem>>
      %dma_start3A_204 = tpu.memref_squeeze %dma_start3A_203 : memref<1x128xi32, #tpu.memory_space<vmem>> -> memref<128xi32, #tpu.memory_space<vmem>>
      %dma_start3A_205 = arith.constant 0 : i32
      %dma_start3A_206 = arith.constant 0 : i32
      %dma_start3A_207 = tpu.memref_slice %arg2[%dma_start3A_205, %dma_start3A_206] : memref<1000000x64xf32, #tpu.memory_space<hbm>> -> memref<1000000x64xf32, #tpu.memory_space<hbm>>
      tpu.enqueue_indirect_dma source(%dma_start3A_207 : memref<1000000x64xf32, #tpu.memory_space<hbm>>) target(%dma_start3A_201 : memref<128x64xf32, #tpu.memory_space<vmem>>) offsets(%dma_start3A_204 : memref<128xi32, #tpu.memory_space<vmem>>) semaphore(%arg8 : memref<!tpu.dma_semaphore, #tpu.memory_space<semaphore_mem>>)
      %dma_start3A_208 = arith.constant 1 : i32
      %dma_start3A_209 = arith.constant 1 : i32
      %dma_start3A_210 = arith.constant 512 : i32
      %dma_start3A_211 = arith.constant 0 : i32
      %dma_start3A_212 = tpu.memref_slice %arg6[%dma_start3A_209, %dma_start3A_210, %dma_start3A_211] : memref<2x640x64xf32, #tpu.memory_space<vmem>> -> memref<1x128x64xf32, #tpu.memory_space<vmem>>
      %dma_start3A_213 = tpu.memref_squeeze %dma_start3A_212 : memref<1x128x64xf32, #tpu.memory_space<vmem>> -> memref<128x64xf32, #tpu.memory_space<vmem>>
      %dma_start3A_214 = arith.constant 512 : i32
      %dma_start3A_215 = tpu.memref_slice %arg5[%dma_start3A_208, %dma_start3A_214] : memref<2x640xi32, #tpu.memory_space<vmem>> -> memref<1x128xi32, #tpu.memory_space<vmem>>
      %dma_start3A_216 = tpu.memref_squeeze %dma_start3A_215 : memref<1x128xi32, #tpu.memory_space<vmem>> -> memref<128xi32, #tpu.memory_space<vmem>>
      %dma_start3A_217 = arith.constant 0 : i32
      %dma_start3A_218 = arith.constant 0 : i32
      %dma_start3A_219 = tpu.memref_slice %arg2[%dma_start3A_217, %dma_start3A_218] : memref<1000000x64xf32, #tpu.memory_space<hbm>> -> memref<1000000x64xf32, #tpu.memory_space<hbm>>
      tpu.enqueue_indirect_dma source(%dma_start3A_219 : memref<1000000x64xf32, #tpu.memory_space<hbm>>) target(%dma_start3A_213 : memref<128x64xf32, #tpu.memory_space<vmem>>) offsets(%dma_start3A_216 : memref<128xi32, #tpu.memory_space<vmem>>) semaphore(%arg8 : memref<!tpu.dma_semaphore, #tpu.memory_space<semaphore_mem>>)
      %add3A_220 = arith.constant 2 : i32
      %add3A_221 = arith.addi %add3A_133, %add3A_220 : i32
      %mul3A_222 = arith.constant 640 : i32
      %mul3A_223 = arith.muli %add3A_221, %mul3A_222 : i32
      %add3A_224 = arith.addi %mul3A_2, %mul3A_223 : i32
      %min3A_225 = arith.constant 3276160 : i32
      %min3A_226 = arith.minsi %add3A_224, %min3A_225 : i32
      %multiple_of3A_227 = tpu.assume_multiple %min3A_226, 640 : i32
      %dma_start3A_228 = arith.constant 0 : i32
      %dma_start3A_229 = arith.constant 0 : i32
      %dma_start3A_230 = tpu.memref_slice %arg5[%dma_start3A_228, %dma_start3A_229] : memref<2x640xi32, #tpu.memory_space<vmem>> -> memref<1x640xi32, #tpu.memory_space<vmem>>
      %dma_start3A_231 = tpu.memref_squeeze %dma_start3A_230 : memref<1x640xi32, #tpu.memory_space<vmem>> -> memref<640xi32, #tpu.memory_space<vmem>>
      %dma_start3A_232 = tpu.memref_slice %arg3[%multiple_of3A_227] : memref<3276800xi32, #tpu.memory_space<hbm>> -> memref<640xi32, #tpu.memory_space<hbm>>
      %dma_start3A_233 = arith.constant 0 : i32
      %dma_start3A_234 = tpu.memref_slice %arg5[%dma_start3A_228, %dma_start3A_233] : memref<2x640xi32, #tpu.memory_space<vmem>> -> memref<1x640xi32, #tpu.memory_space<vmem>>
      %dma_start3A_235 = tpu.memref_squeeze %dma_start3A_234 : memref<1x640xi32, #tpu.memory_space<vmem>> -> memref<640xi32, #tpu.memory_space<vmem>>
      %dma_start3A_236 = tpu.memref_slice %arg3[%multiple_of3A_227] : memref<3276800xi32, #tpu.memory_space<hbm>> -> memref<640xi32, #tpu.memory_space<hbm>>
      tpu.enqueue_dma source(%dma_start3A_236 : memref<640xi32, #tpu.memory_space<hbm>>) target(%dma_start3A_235 : memref<640xi32, #tpu.memory_space<vmem>>) target_semaphore(%arg9 : memref<!tpu.dma_semaphore, #tpu.memory_space<semaphore_mem>>)
      %mul3A_237 = arith.constant 640 : i32
      %mul3A_238 = arith.muli %add3A_133, %mul3A_237 : i32
      %add3A_239 = arith.addi %mul3A_2, %mul3A_238 : i32
      %multiple_of3A_240 = tpu.assume_multiple %add3A_239, 640 : i32
      %run_scoped3A = arith.constant 0 : i32
      "tpu.region"() ({
        %run_scoped3A_353 = tpu.sem_alloc : memref<!tpu.dma_semaphore, #tpu.memory_space<semaphore_mem>>
        %dma_start3A_354 = arith.constant 0 : i32
        %dma_start3A_355 = arith.constant 0 : i32
        %dma_start3A_356 = tpu.memref_slice %arg6[%run_scoped3A, %dma_start3A_354, %dma_start3A_355] : memref<2x640x64xf32, #tpu.memory_space<vmem>> -> memref<1x640x64xf32, #tpu.memory_space<vmem>>
        %dma_start3A_357 = tpu.memref_squeeze %dma_start3A_356 : memref<1x640x64xf32, #tpu.memory_space<vmem>> -> memref<640x64xf32, #tpu.memory_space<vmem>>
        %dma_start3A_358 = arith.constant 0 : i32
        %dma_start3A_359 = tpu.memref_slice %arg4[%multiple_of3A_240, %dma_start3A_358] : memref<3276800x128xf32, #tpu.memory_space<hbm>> -> memref<640x64xf32, #tpu.memory_space<hbm>>
        %dma_start3A_360 = arith.constant 0 : i32
        %dma_start3A_361 = tpu.memref_slice %arg4[%multiple_of3A_240, %dma_start3A_360] : memref<3276800x128xf32, #tpu.memory_space<hbm>> -> memref<640x64xf32, #tpu.memory_space<hbm>>
        %dma_start3A_362 = arith.constant 0 : i32
        %dma_start3A_363 = arith.constant 0 : i32
        %dma_start3A_364 = tpu.memref_slice %arg6[%run_scoped3A, %dma_start3A_362, %dma_start3A_363] : memref<2x640x64xf32, #tpu.memory_space<vmem>> -> memref<1x640x64xf32, #tpu.memory_space<vmem>>
        %dma_start3A_365 = tpu.memref_squeeze %dma_start3A_364 : memref<1x640x64xf32, #tpu.memory_space<vmem>> -> memref<640x64xf32, #tpu.memory_space<vmem>>
        tpu.enqueue_dma source(%dma_start3A_365 : memref<640x64xf32, #tpu.memory_space<vmem>>) target(%dma_start3A_361 : memref<640x64xf32, #tpu.memory_space<hbm>>) target_semaphore(%run_scoped3A_353 : memref<!tpu.dma_semaphore, #tpu.memory_space<semaphore_mem>>)
        %dma_wait3A_366 = arith.constant 0 : i32
        %dma_wait3A_367 = arith.constant 0 : i32
        %dma_wait3A_368 = tpu.memref_slice %arg6[%run_scoped3A, %dma_wait3A_366, %dma_wait3A_367] : memref<2x640x64xf32, #tpu.memory_space<vmem>> -> memref<1x640x64xf32, #tpu.memory_space<vmem>>
        %dma_wait3A_369 = tpu.memref_squeeze %dma_wait3A_368 : memref<1x640x64xf32, #tpu.memory_space<vmem>> -> memref<640x64xf32, #tpu.memory_space<vmem>>
        %dma_wait3A_370 = arith.constant 0 : i32
        %dma_wait3A_371 = tpu.memref_slice %arg4[%multiple_of3A_240, %dma_wait3A_370] : memref<3276800x128xf32, #tpu.memory_space<hbm>> -> memref<640x64xf32, #tpu.memory_space<hbm>>
        %dma_wait3A_372 = arith.constant 0 : i32
        %dma_wait3A_373 = tpu.memref_slice %arg4[%multiple_of3A_240, %dma_wait3A_372] : memref<3276800x128xf32, #tpu.memory_space<hbm>> -> memref<640x64xf32, #tpu.memory_space<hbm>>
        %dma_wait3A_374 = arith.constant 0 : i32
        %dma_wait3A_375 = arith.constant 0 : i32
        %dma_wait3A_376 = tpu.memref_slice %arg6[%run_scoped3A, %dma_wait3A_374, %dma_wait3A_375] : memref<2x640x64xf32, #tpu.memory_space<vmem>> -> memref<1x640x64xf32, #tpu.memory_space<vmem>>
        %dma_wait3A_377 = tpu.memref_squeeze %dma_wait3A_376 : memref<1x640x64xf32, #tpu.memory_space<vmem>> -> memref<640x64xf32, #tpu.memory_space<vmem>>
        tpu.wait_dma2 semaphore(%run_scoped3A_353 : memref<!tpu.dma_semaphore, #tpu.memory_space<semaphore_mem>>) src(%dma_wait3A_377 : memref<640x64xf32, #tpu.memory_space<vmem>>) dst(%dma_wait3A_373 : memref<640x64xf32, #tpu.memory_space<hbm>>)
        tpu.yield
      }) : () -> ()
      %mul3A_241 = arith.constant 2 : i32
      %mul3A_242 = arith.muli %mul3A_241, %scan3A_129 : i32
      %add3A_243 = arith.constant 1 : i32
      %add3A_244 = arith.addi %mul3A_242, %add3A_243 : i32
      %dma_wait3A_245 = arith.constant 1 : i32
      %dma_wait3A_246 = arith.constant 0 : i32
      %dma_wait3A_247 = arith.constant 0 : i32
      %dma_wait3A_248 = tpu.memref_slice %arg6[%dma_wait3A_245, %dma_wait3A_246, %dma_wait3A_247] : memref<2x640x64xf32, #tpu.memory_space<vmem>> -> memref<1x640x64xf32, #tpu.memory_space<vmem>>
      %dma_wait3A_249 = tpu.memref_squeeze %dma_wait3A_248 : memref<1x640x64xf32, #tpu.memory_space<vmem>> -> memref<640x64xf32, #tpu.memory_space<vmem>>
      %dma_wait3A_250 = arith.constant 0 : i32
      %dma_wait3A_251 = arith.constant 0 : i32
      %dma_wait3A_252 = tpu.memref_slice %arg2[%dma_wait3A_250, %dma_wait3A_251] : memref<1000000x64xf32, #tpu.memory_space<hbm>> -> memref<640x64xf32, #tpu.memory_space<hbm>>
      %dma_wait3A_253 = arith.constant 0 : i32
      %dma_wait3A_254 = arith.constant 0 : i32
      %dma_wait3A_255 = tpu.memref_slice %arg6[%dma_wait3A_245, %dma_wait3A_253, %dma_wait3A_254] : memref<2x640x64xf32, #tpu.memory_space<vmem>> -> memref<1x640x64xf32, #tpu.memory_space<vmem>>
      %dma_wait3A_256 = tpu.memref_squeeze %dma_wait3A_255 : memref<1x640x64xf32, #tpu.memory_space<vmem>> -> memref<640x64xf32, #tpu.memory_space<vmem>>
      %dma_wait3A_257 = arith.constant 0 : i32
      %dma_wait3A_258 = arith.constant 0 : i32
      %dma_wait3A_259 = tpu.memref_slice %arg2[%dma_wait3A_257, %dma_wait3A_258] : memref<1000000x64xf32, #tpu.memory_space<hbm>> -> memref<640x64xf32, #tpu.memory_space<hbm>>
      tpu.wait_dma2 semaphore(%arg8 : memref<!tpu.dma_semaphore, #tpu.memory_space<semaphore_mem>>) src(%dma_wait3A_259 : memref<640x64xf32, #tpu.memory_space<hbm>>) dst(%dma_wait3A_256 : memref<640x64xf32, #tpu.memory_space<vmem>>)
      %dma_wait3A_260 = arith.constant 0 : i32
      %dma_wait3A_261 = arith.constant 0 : i32
      %dma_wait3A_262 = tpu.memref_slice %arg5[%dma_wait3A_260, %dma_wait3A_261] : memref<2x640xi32, #tpu.memory_space<vmem>> -> memref<1x640xi32, #tpu.memory_space<vmem>>
      %dma_wait3A_263 = tpu.memref_squeeze %dma_wait3A_262 : memref<1x640xi32, #tpu.memory_space<vmem>> -> memref<640xi32, #tpu.memory_space<vmem>>
      %dma_wait3A_264 = arith.constant 0 : i32
      %dma_wait3A_265 = tpu.memref_slice %arg3[%dma_wait3A_264] : memref<3276800xi32, #tpu.memory_space<hbm>> -> memref<640xi32, #tpu.memory_space<hbm>>
      %dma_wait3A_266 = arith.constant 0 : i32
      %dma_wait3A_267 = tpu.memref_slice %arg5[%dma_wait3A_260, %dma_wait3A_266] : memref<2x640xi32, #tpu.memory_space<vmem>> -> memref<1x640xi32, #tpu.memory_space<vmem>>
      %dma_wait3A_268 = tpu.memref_squeeze %dma_wait3A_267 : memref<1x640xi32, #tpu.memory_space<vmem>> -> memref<640xi32, #tpu.memory_space<vmem>>
      %dma_wait3A_269 = arith.constant 0 : i32
      %dma_wait3A_270 = tpu.memref_slice %arg3[%dma_wait3A_269] : memref<3276800xi32, #tpu.memory_space<hbm>> -> memref<640xi32, #tpu.memory_space<hbm>>
      tpu.wait_dma2 semaphore(%arg9 : memref<!tpu.dma_semaphore, #tpu.memory_space<semaphore_mem>>) src(%dma_wait3A_270 : memref<640xi32, #tpu.memory_space<hbm>>) dst(%dma_wait3A_268 : memref<640xi32, #tpu.memory_space<vmem>>)
      %dma_start3A_271 = arith.constant 0 : i32
      %dma_start3A_272 = arith.constant 0 : i32
      %dma_start3A_273 = arith.constant 0 : i32
      %dma_start3A_274 = arith.constant 0 : i32
      %dma_start3A_275 = tpu.memref_slice %arg6[%dma_start3A_272, %dma_start3A_273, %dma_start3A_274] : memref<2x640x64xf32, #tpu.memory_space<vmem>> -> memref<1x128x64xf32, #tpu.memory_space<vmem>>
      %dma_start3A_276 = tpu.memref_squeeze %dma_start3A_275 : memref<1x128x64xf32, #tpu.memory_space<vmem>> -> memref<128x64xf32, #tpu.memory_space<vmem>>
      %dma_start3A_277 = arith.constant 0 : i32
      %dma_start3A_278 = tpu.memref_slice %arg5[%dma_start3A_271, %dma_start3A_277] : memref<2x640xi32, #tpu.memory_space<vmem>> -> memref<1x128xi32, #tpu.memory_space<vmem>>
      %dma_start3A_279 = tpu.memref_squeeze %dma_start3A_278 : memref<1x128xi32, #tpu.memory_space<vmem>> -> memref<128xi32, #tpu.memory_space<vmem>>
      %dma_start3A_280 = arith.constant 0 : i32
      %dma_start3A_281 = arith.constant 0 : i32
      %dma_start3A_282 = tpu.memref_slice %arg2[%dma_start3A_280, %dma_start3A_281] : memref<1000000x64xf32, #tpu.memory_space<hbm>> -> memref<1000000x64xf32, #tpu.memory_space<hbm>>
      tpu.enqueue_indirect_dma source(%dma_start3A_282 : memref<1000000x64xf32, #tpu.memory_space<hbm>>) target(%dma_start3A_276 : memref<128x64xf32, #tpu.memory_space<vmem>>) offsets(%dma_start3A_279 : memref<128xi32, #tpu.memory_space<vmem>>) semaphore(%arg7 : memref<!tpu.dma_semaphore, #tpu.memory_space<semaphore_mem>>)
      %dma_start3A_283 = arith.constant 0 : i32
      %dma_start3A_284 = arith.constant 0 : i32
      %dma_start3A_285 = arith.constant 128 : i32
      %dma_start3A_286 = arith.constant 0 : i32
      %dma_start3A_287 = tpu.memref_slice %arg6[%dma_start3A_284, %dma_start3A_285, %dma_start3A_286] : memref<2x640x64xf32, #tpu.memory_space<vmem>> -> memref<1x128x64xf32, #tpu.memory_space<vmem>>
      %dma_start3A_288 = tpu.memref_squeeze %dma_start3A_287 : memref<1x128x64xf32, #tpu.memory_space<vmem>> -> memref<128x64xf32, #tpu.memory_space<vmem>>
      %dma_start3A_289 = arith.constant 128 : i32
      %dma_start3A_290 = tpu.memref_slice %arg5[%dma_start3A_283, %dma_start3A_289] : memref<2x640xi32, #tpu.memory_space<vmem>> -> memref<1x128xi32, #tpu.memory_space<vmem>>
      %dma_start3A_291 = tpu.memref_squeeze %dma_start3A_290 : memref<1x128xi32, #tpu.memory_space<vmem>> -> memref<128xi32, #tpu.memory_space<vmem>>
      %dma_start3A_292 = arith.constant 0 : i32
      %dma_start3A_293 = arith.constant 0 : i32
      %dma_start3A_294 = tpu.memref_slice %arg2[%dma_start3A_292, %dma_start3A_293] : memref<1000000x64xf32, #tpu.memory_space<hbm>> -> memref<1000000x64xf32, #tpu.memory_space<hbm>>
      tpu.enqueue_indirect_dma source(%dma_start3A_294 : memref<1000000x64xf32, #tpu.memory_space<hbm>>) target(%dma_start3A_288 : memref<128x64xf32, #tpu.memory_space<vmem>>) offsets(%dma_start3A_291 : memref<128xi32, #tpu.memory_space<vmem>>) semaphore(%arg7 : memref<!tpu.dma_semaphore, #tpu.memory_space<semaphore_mem>>)
      %dma_start3A_295 = arith.constant 0 : i32
      %dma_start3A_296 = arith.constant 0 : i32
      %dma_start3A_297 = arith.constant 256 : i32
      %dma_start3A_298 = arith.constant 0 : i32
      %dma_start3A_299 = tpu.memref_slice %arg6[%dma_start3A_296, %dma_start3A_297, %dma_start3A_298] : memref<2x640x64xf32, #tpu.memory_space<vmem>> -> memref<1x128x64xf32, #tpu.memory_space<vmem>>
      %dma_start3A_300 = tpu.memref_squeeze %dma_start3A_299 : memref<1x128x64xf32, #tpu.memory_space<vmem>> -> memref<128x64xf32, #tpu.memory_space<vmem>>
      %dma_start3A_301 = arith.constant 256 : i32
      %dma_start3A_302 = tpu.memref_slice %arg5[%dma_start3A_295, %dma_start3A_301] : memref<2x640xi32, #tpu.memory_space<vmem>> -> memref<1x128xi32, #tpu.memory_space<vmem>>
      %dma_start3A_303 = tpu.memref_squeeze %dma_start3A_302 : memref<1x128xi32, #tpu.memory_space<vmem>> -> memref<128xi32, #tpu.memory_space<vmem>>
      %dma_start3A_304 = arith.constant 0 : i32
      %dma_start3A_305 = arith.constant 0 : i32
      %dma_start3A_306 = tpu.memref_slice %arg2[%dma_start3A_304, %dma_start3A_305] : memref<1000000x64xf32, #tpu.memory_space<hbm>> -> memref<1000000x64xf32, #tpu.memory_space<hbm>>
      tpu.enqueue_indirect_dma source(%dma_start3A_306 : memref<1000000x64xf32, #tpu.memory_space<hbm>>) target(%dma_start3A_300 : memref<128x64xf32, #tpu.memory_space<vmem>>) offsets(%dma_start3A_303 : memref<128xi32, #tpu.memory_space<vmem>>) semaphore(%arg7 : memref<!tpu.dma_semaphore, #tpu.memory_space<semaphore_mem>>)
      %dma_start3A_307 = arith.constant 0 : i32
      %dma_start3A_308 = arith.constant 0 : i32
      %dma_start3A_309 = arith.constant 384 : i32
      %dma_start3A_310 = arith.constant 0 : i32
      %dma_start3A_311 = tpu.memref_slice %arg6[%dma_start3A_308, %dma_start3A_309, %dma_start3A_310] : memref<2x640x64xf32, #tpu.memory_space<vmem>> -> memref<1x128x64xf32, #tpu.memory_space<vmem>>
      %dma_start3A_312 = tpu.memref_squeeze %dma_start3A_311 : memref<1x128x64xf32, #tpu.memory_space<vmem>> -> memref<128x64xf32, #tpu.memory_space<vmem>>
      %dma_start3A_313 = arith.constant 384 : i32
      %dma_start3A_314 = tpu.memref_slice %arg5[%dma_start3A_307, %dma_start3A_313] : memref<2x640xi32, #tpu.memory_space<vmem>> -> memref<1x128xi32, #tpu.memory_space<vmem>>
      %dma_start3A_315 = tpu.memref_squeeze %dma_start3A_314 : memref<1x128xi32, #tpu.memory_space<vmem>> -> memref<128xi32, #tpu.memory_space<vmem>>
      %dma_start3A_316 = arith.constant 0 : i32
      %dma_start3A_317 = arith.constant 0 : i32
      %dma_start3A_318 = tpu.memref_slice %arg2[%dma_start3A_316, %dma_start3A_317] : memref<1000000x64xf32, #tpu.memory_space<hbm>> -> memref<1000000x64xf32, #tpu.memory_space<hbm>>
      tpu.enqueue_indirect_dma source(%dma_start3A_318 : memref<1000000x64xf32, #tpu.memory_space<hbm>>) target(%dma_start3A_312 : memref<128x64xf32, #tpu.memory_space<vmem>>) offsets(%dma_start3A_315 : memref<128xi32, #tpu.memory_space<vmem>>) semaphore(%arg7 : memref<!tpu.dma_semaphore, #tpu.memory_space<semaphore_mem>>)
      %dma_start3A_319 = arith.constant 0 : i32
      %dma_start3A_320 = arith.constant 0 : i32
      %dma_start3A_321 = arith.constant 512 : i32
      %dma_start3A_322 = arith.constant 0 : i32
      %dma_start3A_323 = tpu.memref_slice %arg6[%dma_start3A_320, %dma_start3A_321, %dma_start3A_322] : memref<2x640x64xf32, #tpu.memory_space<vmem>> -> memref<1x128x64xf32, #tpu.memory_space<vmem>>
      %dma_start3A_324 = tpu.memref_squeeze %dma_start3A_323 : memref<1x128x64xf32, #tpu.memory_space<vmem>> -> memref<128x64xf32, #tpu.memory_space<vmem>>
      %dma_start3A_325 = arith.constant 512 : i32
      %dma_start3A_326 = tpu.memref_slice %arg5[%dma_start3A_319, %dma_start3A_325] : memref<2x640xi32, #tpu.memory_space<vmem>> -> memref<1x128xi32, #tpu.memory_space<vmem>>
      %dma_start3A_327 = tpu.memref_squeeze %dma_start3A_326 : memref<1x128xi32, #tpu.memory_space<vmem>> -> memref<128xi32, #tpu.memory_space<vmem>>
      %dma_start3A_328 = arith.constant 0 : i32
      %dma_start3A_329 = arith.constant 0 : i32
      %dma_start3A_330 = tpu.memref_slice %arg2[%dma_start3A_328, %dma_start3A_329] : memref<1000000x64xf32, #tpu.memory_space<hbm>> -> memref<1000000x64xf32, #tpu.memory_space<hbm>>
      tpu.enqueue_indirect_dma source(%dma_start3A_330 : memref<1000000x64xf32, #tpu.memory_space<hbm>>) target(%dma_start3A_324 : memref<128x64xf32, #tpu.memory_space<vmem>>) offsets(%dma_start3A_327 : memref<128xi32, #tpu.memory_space<vmem>>) semaphore(%arg7 : memref<!tpu.dma_semaphore, #tpu.memory_space<semaphore_mem>>)
      %add3A_331 = arith.constant 2 : i32
      %add3A_332 = arith.addi %add3A_244, %add3A_331 : i32
      %mul3A_333 = arith.constant 640 : i32
      %mul3A_334 = arith.muli %add3A_332, %mul3A_333 : i32
      %add3A_335 = arith.addi %mul3A_2, %mul3A_334 : i32
      %min3A_336 = arith.constant 3276160 : i32
      %min3A_337 = arith.minsi %add3A_335, %min3A_336 : i32
      %multiple_of3A_338 = tpu.assume_multiple %min3A_337, 640 : i32
      %dma_start3A_339 = arith.constant 1 : i32
      %dma_start3A_340 = arith.constant 0 : i32
      %dma_start3A_341 = tpu.memref_slice %arg5[%dma_start3A_339, %dma_start3A_340] : memref<2x640xi32, #tpu.memory_space<vmem>> -> memref<1x640xi32, #tpu.memory_space<vmem>>
      %dma_start3A_342 = tpu.memref_squeeze %dma_start3A_341 : memref<1x640xi32, #tpu.memory_space<vmem>> -> memref<640xi32, #tpu.memory_space<vmem>>
      %dma_start3A_343 = tpu.memref_slice %arg3[%multiple_of3A_338] : memref<3276800xi32, #tpu.memory_space<hbm>> -> memref<640xi32, #tpu.memory_space<hbm>>
      %dma_start3A_344 = arith.constant 0 : i32
      %dma_start3A_345 = tpu.memref_slice %arg5[%dma_start3A_339, %dma_start3A_344] : memref<2x640xi32, #tpu.memory_space<vmem>> -> memref<1x640xi32, #tpu.memory_space<vmem>>
      %dma_start3A_346 = tpu.memref_squeeze %dma_start3A_345 : memref<1x640xi32, #tpu.memory_space<vmem>> -> memref<640xi32, #tpu.memory_space<vmem>>
      %dma_start3A_347 = tpu.memref_slice %arg3[%multiple_of3A_338] : memref<3276800xi32, #tpu.memory_space<hbm>> -> memref<640xi32, #tpu.memory_space<hbm>>
      tpu.enqueue_dma source(%dma_start3A_347 : memref<640xi32, #tpu.memory_space<hbm>>) target(%dma_start3A_346 : memref<640xi32, #tpu.memory_space<vmem>>) target_semaphore(%arg10 : memref<!tpu.dma_semaphore, #tpu.memory_space<semaphore_mem>>)
      %mul3A_348 = arith.constant 640 : i32
      %mul3A_349 = arith.muli %add3A_244, %mul3A_348 : i32
      %add3A_350 = arith.addi %mul3A_2, %mul3A_349 : i32
      %multiple_of3A_351 = tpu.assume_multiple %add3A_350, 640 : i32
      %run_scoped3A_352 = arith.constant 1 : i32
      "tpu.region"() ({
        %run_scoped3A_353 = tpu.sem_alloc : memref<!tpu.dma_semaphore, #tpu.memory_space<semaphore_mem>>
        %dma_start3A_354 = arith.constant 0 : i32
        %dma_start3A_355 = arith.constant 0 : i32
        %dma_start3A_356 = tpu.memref_slice %arg6[%run_scoped3A_352, %dma_start3A_354, %dma_start3A_355] : memref<2x640x64xf32, #tpu.memory_space<vmem>> -> memref<1x640x64xf32, #tpu.memory_space<vmem>>
        %dma_start3A_357 = tpu.memref_squeeze %dma_start3A_356 : memref<1x640x64xf32, #tpu.memory_space<vmem>> -> memref<640x64xf32, #tpu.memory_space<vmem>>
        %dma_start3A_358 = arith.constant 0 : i32
        %dma_start3A_359 = tpu.memref_slice %arg4[%multiple_of3A_351, %dma_start3A_358] : memref<3276800x128xf32, #tpu.memory_space<hbm>> -> memref<640x64xf32, #tpu.memory_space<hbm>>
        %dma_start3A_360 = arith.constant 0 : i32
        %dma_start3A_361 = tpu.memref_slice %arg4[%multiple_of3A_351, %dma_start3A_360] : memref<3276800x128xf32, #tpu.memory_space<hbm>> -> memref<640x64xf32, #tpu.memory_space<hbm>>
        %dma_start3A_362 = arith.constant 0 : i32
        %dma_start3A_363 = arith.constant 0 : i32
        %dma_start3A_364 = tpu.memref_slice %arg6[%run_scoped3A_352, %dma_start3A_362, %dma_start3A_363] : memref<2x640x64xf32, #tpu.memory_space<vmem>> -> memref<1x640x64xf32, #tpu.memory_space<vmem>>
        %dma_start3A_365 = tpu.memref_squeeze %dma_start3A_364 : memref<1x640x64xf32, #tpu.memory_space<vmem>> -> memref<640x64xf32, #tpu.memory_space<vmem>>
        tpu.enqueue_dma source(%dma_start3A_365 : memref<640x64xf32, #tpu.memory_space<vmem>>) target(%dma_start3A_361 : memref<640x64xf32, #tpu.memory_space<hbm>>) target_semaphore(%run_scoped3A_353 : memref<!tpu.dma_semaphore, #tpu.memory_space<semaphore_mem>>)
        %dma_wait3A_366 = arith.constant 0 : i32
        %dma_wait3A_367 = arith.constant 0 : i32
        %dma_wait3A_368 = tpu.memref_slice %arg6[%run_scoped3A_352, %dma_wait3A_366, %dma_wait3A_367] : memref<2x640x64xf32, #tpu.memory_space<vmem>> -> memref<1x640x64xf32, #tpu.memory_space<vmem>>
        %dma_wait3A_369 = tpu.memref_squeeze %dma_wait3A_368 : memref<1x640x64xf32, #tpu.memory_space<vmem>> -> memref<640x64xf32, #tpu.memory_space<vmem>>
        %dma_wait3A_370 = arith.constant 0 : i32
        %dma_wait3A_371 = tpu.memref_slice %arg4[%multiple_of3A_351, %dma_wait3A_370] : memref<3276800x128xf32, #tpu.memory_space<hbm>> -> memref<640x64xf32, #tpu.memory_space<hbm>>
        %dma_wait3A_372 = arith.constant 0 : i32
        %dma_wait3A_373 = tpu.memref_slice %arg4[%multiple_of3A_351, %dma_wait3A_372] : memref<3276800x128xf32, #tpu.memory_space<hbm>> -> memref<640x64xf32, #tpu.memory_space<hbm>>
        %dma_wait3A_374 = arith.constant 0 : i32
        %dma_wait3A_375 = arith.constant 0 : i32
        %dma_wait3A_376 = tpu.memref_slice %arg6[%run_scoped3A_352, %dma_wait3A_374, %dma_wait3A_375] : memref<2x640x64xf32, #tpu.memory_space<vmem>> -> memref<1x640x64xf32, #tpu.memory_space<vmem>>
        %dma_wait3A_377 = tpu.memref_squeeze %dma_wait3A_376 : memref<1x640x64xf32, #tpu.memory_space<vmem>> -> memref<640x64xf32, #tpu.memory_space<vmem>>
        tpu.wait_dma2 semaphore(%run_scoped3A_353 : memref<!tpu.dma_semaphore, #tpu.memory_space<semaphore_mem>>) src(%dma_wait3A_377 : memref<640x64xf32, #tpu.memory_space<vmem>>) dst(%dma_wait3A_373 : memref<640x64xf32, #tpu.memory_space<hbm>>)
        tpu.yield
      }) : () -> ()
    }
    %scan3A_102 = arith.constant 80 : i32
    %dma_wait3A_103 = arith.constant 0 : i32
    %dma_wait3A_104 = arith.constant 0 : i32
    %dma_wait3A_105 = arith.constant 0 : i32
    %dma_wait3A_106 = tpu.memref_slice %arg6[%dma_wait3A_103, %dma_wait3A_104, %dma_wait3A_105] : memref<2x640x64xf32, #tpu.memory_space<vmem>> -> memref<1x640x64xf32, #tpu.memory_space<vmem>>
    %dma_wait3A_107 = tpu.memref_squeeze %dma_wait3A_106 : memref<1x640x64xf32, #tpu.memory_space<vmem>> -> memref<640x64xf32, #tpu.memory_space<vmem>>
    %dma_wait3A_108 = arith.constant 0 : i32
    %dma_wait3A_109 = arith.constant 0 : i32
    %dma_wait3A_110 = tpu.memref_slice %arg2[%dma_wait3A_108, %dma_wait3A_109] : memref<1000000x64xf32, #tpu.memory_space<hbm>> -> memref<640x64xf32, #tpu.memory_space<hbm>>
    %dma_wait3A_111 = arith.constant 0 : i32
    %dma_wait3A_112 = arith.constant 0 : i32
    %dma_wait3A_113 = tpu.memref_slice %arg6[%dma_wait3A_103, %dma_wait3A_111, %dma_wait3A_112] : memref<2x640x64xf32, #tpu.memory_space<vmem>> -> memref<1x640x64xf32, #tpu.memory_space<vmem>>
    %dma_wait3A_114 = tpu.memref_squeeze %dma_wait3A_113 : memref<1x640x64xf32, #tpu.memory_space<vmem>> -> memref<640x64xf32, #tpu.memory_space<vmem>>
    %dma_wait3A_115 = arith.constant 0 : i32
    %dma_wait3A_116 = arith.constant 0 : i32
    %dma_wait3A_117 = tpu.memref_slice %arg2[%dma_wait3A_115, %dma_wait3A_116] : memref<1000000x64xf32, #tpu.memory_space<hbm>> -> memref<640x64xf32, #tpu.memory_space<hbm>>
    tpu.wait_dma2 semaphore(%arg7 : memref<!tpu.dma_semaphore, #tpu.memory_space<semaphore_mem>>) src(%dma_wait3A_117 : memref<640x64xf32, #tpu.memory_space<hbm>>) dst(%dma_wait3A_114 : memref<640x64xf32, #tpu.memory_space<vmem>>)
    %dma_wait3A_118 = arith.constant 1 : i32
    %dma_wait3A_119 = arith.constant 0 : i32
    %dma_wait3A_120 = tpu.memref_slice %arg5[%dma_wait3A_118, %dma_wait3A_119] : memref<2x640xi32, #tpu.memory_space<vmem>> -> memref<1x640xi32, #tpu.memory_space<vmem>>
    %dma_wait3A_121 = tpu.memref_squeeze %dma_wait3A_120 : memref<1x640xi32, #tpu.memory_space<vmem>> -> memref<640xi32, #tpu.memory_space<vmem>>
    %dma_wait3A_122 = arith.constant 0 : i32
    %dma_wait3A_123 = tpu.memref_slice %arg3[%dma_wait3A_122] : memref<3276800xi32, #tpu.memory_space<hbm>> -> memref<640xi32, #tpu.memory_space<hbm>>
    %dma_wait3A_124 = arith.constant 0 : i32
    %dma_wait3A_125 = tpu.memref_slice %arg5[%dma_wait3A_118, %dma_wait3A_124] : memref<2x640xi32, #tpu.memory_space<vmem>> -> memref<1x640xi32, #tpu.memory_space<vmem>>
    %dma_wait3A_126 = tpu.memref_squeeze %dma_wait3A_125 : memref<1x640xi32, #tpu.memory_space<vmem>> -> memref<640xi32, #tpu.memory_space<vmem>>
    %dma_wait3A_127 = arith.constant 0 : i32
    %dma_wait3A_128 = tpu.memref_slice %arg3[%dma_wait3A_127] : memref<3276800xi32, #tpu.memory_space<hbm>> -> memref<640xi32, #tpu.memory_space<hbm>>
    tpu.wait_dma2 semaphore(%arg10 : memref<!tpu.dma_semaphore, #tpu.memory_space<semaphore_mem>>) src(%dma_wait3A_128 : memref<640xi32, #tpu.memory_space<hbm>>) dst(%dma_wait3A_126 : memref<640xi32, #tpu.memory_space<vmem>>)
    return
  }
}

</mosaic_0001>

<sc_bundles>
// kernel: _gather.3.cloned.1.call-start
scs
__scs_entry_jumppad:
0x0: {  	(pc) =	sbr.rel $0x88, $3  }
0x1: {  	(tag) =	ssettag $0x0;
	lr =	simm.s32 $0x1  }
0x2: {  	[smem:$0x3F9F] =	sst lr;
	_ =	strace $0xD0000000  }
0x3: {  	_ = 	snop  }
0x4: {  	_ = 	snop  }
0x5: {  	_ = 	snop  }
0x6: {  	_ = 	snop  }
0x7: {  	_ = 	snop  }
__scs_overlays_trampoline_lowered:
0x8: {  	[smem:$0x3FAE] =	sst s0  }
0x9: {  	[smem:$0x3FAF] =	sst s1  }
0xa: {  	[smem:$0x3FB0] =	sst s2  }
0xb: {  	[smem:$0x3FB1] =	sst s3  }
0xc: {  	[smem:$0x3FB2] =	sst s4  }
0xd: {  	[smem:$0x3FB3] =	sst s5  }
0xe: {  	[smem:$0x3FB4] =	sst s6  }
0xf: {  	[smem:$0x3FB5] =	sst s7  }
0x10: {  	[smem:$0x3FB6] =	sst s8  }
0x11: {  	[smem:$0x3FB7] =	sst s9;
	s0 =	simm.s32 @!p0 $0x0  }
0x12: {  	s1 =	sld [smem:$0x3F9D];
	s0 =	simm.s32 @p0 $0x1  }
0x13: {  	[smem:$0x3FB8] =	sst s0;
	s0 =	simm.s32 @!p1 $0x0  }
0x14: {  	s2 =	sld [smem:$0x3F9C];
	s0 =	simm.s32 @p1 $0x1  }
0x15: {  	[smem:$0x3FB9] =	sst s0;
	s0 =	simm.s32 @!p2 $0x0  }
0x16: {  	s3 =	sld [smem:$0x3FDB];
	s0 =	simm.s32 @p2 $0x1  }
0x17: {  	s4 =	simm.s32 $0x1BF5;
	[smem:$0x3FBB] =	sst s0  }
0x18: {  	s0 =	sld [smem:$0x3F9E];
	_ =	swait.ge [sflag:s4], $0x0  }
0x19: {  	s7 =	sld [smem:$0x3F9F]  }
0x1a: {  	s8 =	sadd.s32 $0xFFFFE003, lr  }
0x1b: {  	s9 =	sadd.s32 $0xFFFFFEF7, lr;
	s5 =	simm.s32 $0xFFFFFFFF;
	p2 =	slt.u32 s8, $0xFFFFF086  }
0x1c: {  	p1 =	slt.u32 s9, $0xF7A;
	s5 =	simm.s32 @!p2 $0x0  }
0x1d: {  	s5 =	simm.s32 @p1 $0x1;
	p0 =	seq.s32 s7, s2  }
0x1e: {  	s7 =	smul.u32 @!p0 $0xF7A, s2;
	p2 =	seq.s32 @!p0 s5, $0x0  }
0x1f: {  	s9 =	smul.u32 $0xF7A, s1;
	s8 =	simm.s32 @!p0 $0x1BF5;
	p2 =	por !p2, p0  }
0x20: {  	[sflag:s8] =	ssyncset.s32 @!p0 $0xFFFFF086;
	s6 =	sadd.s32 @!p0 s3, s7;
	s7 =	simm.s32 @!p0 $0x108  }
0x21: {  	s3 =	sadd.s32 s3, s9;
	s6 =	sadd.s32 @!p0 $0x88, s6;
	s7 =	simm.s32 @p2 $0x1082  }
0x22: {  	[simem:s7], [sflag:s8] =	dma.local @!p0 [hbm:s6], $0xF7A  }
0x23: {  	s9 =	sor.u32 $0xD0000000, s2;
	s6 =	simm.s32 $0x108;
	_ =	swait.ge @!p0 [sflag:s8], $0x0  }
0x24: {  	s3 =	sadd.s32 $0x88, s3;
	s6 =	simm.s32 @!p1 $0x1082;
	[sflag:s4] =	ssyncset.s32 $0xFFFFF086  }
0x25: {  	[simem:s6], [sflag:s4] =	dma.local [hbm:s3], $0xF7A  }
0x26: {  	[smem:$0x3F9F] =	sst s1;
	(tag) =	ssettag s2;
	_ =	strace s9  }
0x27: {  	s1 =	sld [smem:$0x3FAF]  }
0x28: {  	s2 =	sld [smem:$0x3FB0]  }
0x29: {  	s4 =	sld [smem:$0x3FB2]  }
0x2a: {  	p0 =	seq.s32 s5, $0x0;
	s5 =	sld [smem:$0x3FB3]  }
0x2b: {  	s6 =	sld [smem:$0x3FB4]  }
0x2c: {  	s7 =	sld [smem:$0x3FB5]  }
0x2d: {  	s3 =	simm.s32 $0x108;
	s8 =	sld [smem:$0x3FB6]  }
0x2e: {  	s3 =	simm.s32 @!p0 $0x1082;
	s9 =	sld [smem:$0x3FB7]  }
0x2f: {  	lr =	sadd.s32 s0, s3;
	s0 =	sld [smem:$0x3FAE]  }
0x30: {  	s3 =	sld [smem:$0x3FB1]  }
0x31: {  	[smem:$0x3FBA] =	sst s10  }
0x32: {  	s10 =	sld [smem:$0x3FB8];
	_ =	sdelay $0x3  }
0x33: {  	p0 =	seq.s32 s10, $0x1;
	s10 =	sld [smem:$0x3FBA];
	_ =	sdelay $0x3  }
0x34: {  	[smem:$0x3FBA] =	sst s10  }
0x35: {  	s10 =	sld [smem:$0x3FB9];
	_ =	sdelay $0x3  }
0x36: {  	p1 =	seq.s32 s10, $0x1;
	s10 =	sld [smem:$0x3FBA];
	_ =	sdelay $0x3  }
0x37: {  	[smem:$0x3FBA] =	sst s10  }
0x38: {  	s10 =	sld [smem:$0x3FBB]  }
0x39: {  	_ = 	snop;
	(pc) =	sbr.ind lr, $3  }
0x3a: {  	_ = 	snop  }
0x3b: {  	_ = 	snop  }
0x3c: {  	p2 =	seq.s32 s10, $0x1;
	s10 =	sld [smem:$0x3FBA]  }
0x3d: {  	_ =	shalt  }
0x3e: {  	_ =	shalt  }
0x3f: {  	_ =	shalt  }
0x40: {  	_ =	shalt  }
0x41: {  	_ =	shalt  }
0x42: {  	_ =	shalt  }
0x43: {  	_ =	shalt  }
0x44: {  	_ =	shalt  }
0x45: {  	_ =	shalt  }
0x46: {  	_ =	shalt  }
0x47: {  	_ =	shalt  }
0x48: {  	_ =	shalt  }
0x49: {  	_ =	shalt  }
0x4a: {  	_ =	shalt  }
0x4b: {  	_ =	shalt  }
0x4c: {  	_ =	shalt  }
0x4d: {  	_ =	shalt  }
0x4e: {  	_ =	shalt  }
0x4f: {  	_ =	shalt  }
0x50: {  	_ =	shalt  }
0x51: {  	_ =	shalt  }
0x52: {  	_ =	shalt  }
0x53: {  	_ =	shalt  }
0x54: {  	_ =	shalt  }
0x55: {  	_ =	shalt  }
0x56: {  	_ =	shalt  }
0x57: {  	_ =	shalt  }
0x58: {  	_ =	shalt  }
0x59: {  	_ =	shalt  }
0x5a: {  	_ =	shalt  }
0x5b: {  	_ =	shalt  }
0x5c: {  	_ =	shalt  }
0x5d: {  	_ =	shalt  }
0x5e: {  	_ =	shalt  }
0x5f: {  	_ =	shalt  }
0x60: {  	_ =	shalt  }
0x61: {  	_ =	shalt  }
0x62: {  	_ =	shalt  }
0x63: {  	_ =	shalt  }
0x64: {  	_ =	shalt  }
0x65: {  	_ =	shalt  }
0x66: {  	_ =	shalt  }
0x67: {  	_ =	shalt  }
0x68: {  	_ =	shalt  }
0x69: {  	_ =	shalt  }
0x6a: {  	_ =	shalt  }
0x6b: {  	_ =	shalt  }
0x6c: {  	_ =	shalt  }
0x6d: {  	_ =	shalt  }
0x6e: {  	_ =	shalt  }
0x6f: {  	_ =	shalt  }
0x70: {  	_ =	shalt  }
0x71: {  	_ =	shalt  }
0x72: {  	_ =	shalt  }
0x73: {  	_ =	shalt  }
0x74: {  	_ =	shalt  }
0x75: {  	_ =	shalt  }
0x76: {  	_ =	shalt  }
0x77: {  	_ =	shalt  }
0x78: {  	_ =	shalt  }
0x79: {  	_ =	shalt  }
0x7a: {  	_ =	shalt  }
0x7b: {  	_ =	shalt  }
0x7c: {  	_ =	shalt  }
0x7d: {  	_ =	shalt  }
0x7e: {  	_ =	shalt  }
0x7f: {  	_ =	shalt  }
0x80: {  	_ =	shalt  }
0x81: {  	_ =	shalt  }
0x82: {  	_ =	shalt  }
0x83: {  	_ =	shalt  }
0x84: {  	_ =	shalt  }
0x85: {  	_ =	shalt  }
0x86: {  	_ =	shalt  }
0x87: {  	_ =	shalt  }
.Lfunc_end0:
.L_simem_size_0:
called_computation_lowered:
.L_overlay_start_0:
0x88: {  	s2 =	sld [smem:$0x3FD9]  }
0x89: {  	s3 =	sld [smem:$0x3FFE];
	_ =	sdelay $0x1  }
0x8a: {  	s1 =	srdreg.scid  }
0x8b: {  	s0 =	sand.u32 $0x1, s1  }
0x8c: {  	s17 =	sshll.u32 s0, $0xA;
	s2 =	sadd.s32 s3, s2  }
0x8d: {  	s2 =	sadd.s32 s2, s17  }
0x8e: {  	[smem:$0x3FC6] =	sst s2  }
0x8f: {  	_ = 	snop  }
0x90: {  	s2 =	sld [smem:$0x3FC8]  }
0x91: {  	s18 =	sld [smem:$0x3FD0];
	(tm) =	ssettm $0x1  }
0x92: {  	s4 =	sld [smem:$0x3FFB];
	_ =	sdelay $0x3  }
0x93: {  	_ =	strace s4  }
0x94: {  	s4 =	sld [smem:$0x3FFC];
	_ =	sdelay $0x3  }
0x95: {  	_ =	strace s4  }
0x96: {  	s4 =	sld [smem:$0x3FFD];
	_ =	sdelay $0x3  }
0x97: {  	_ =	strace s4  }
0x98: {  	_ =	strace $0x8FFFFFFF  }
0x99: {  	s19 =	sld [smem:$0x3FDB];
	_ =	sdelay $0x1  }
0x9a: {  	s5 =	simm.s32 $_scs_section_size  }
0x9b: {  	s6 =	simm.s32 $_size__tile_overlayer_lowered;
	s7 =	simm.s32 $_tile_overlayer_lowered  }
0x9c: {  	s22 =	simm.s32 $0x1BFF;
	s21 =	sshll.u32 s7, $0x1;
	s4 =	sadd.s32 s5, s19  }
0x9d: {  	s8 =	simm.s32 $0x0;
	s20 =	sshll.u32 s6, $0x1;
	s6 =	sadd.s32 s21, s4  }
0x9e: {  	[timem:s8], [sflag:s22] =	dma.local [hbm:s6], s20  }
0x9f: {  	_ =	swait.ge [sflag:s22], s20  }
0xa0: {  	s5 =	ssub.s32 $0x0, s20;
	[sflag:s22] =	ssyncset.done $0x0  }
0xa1: {  	[sflag:s22] =	ssyncadd.s32 s5;
	_ =	sdelay $0x1  }
0xa2: {  	s23 =	simm.s32 $0x1B8B  }
0xa3: {  	_ =	swait.ge [sflag:s23], $0x1  }
0xa4: {  	[sflag:s23] =	ssyncset.done $0x0  }
0xa5: {  	s25 =	simm.s32 $0x1B8E;
	s24 =	sld [smem:$0x3FFE];
	[sflag:s23] =	ssyncadd.s32 $0xFFFFFFFF  }
0xa6: {  	s26 =	simm.s32 $execute0_lowered;
	[smem:$0x3FD2] =	sst s25  }
0xa7: {  	s6 =	sshll.u32 s26, $0x1;
	_ =	strace $0x80000046;
	[dreg:$0x1] =	wrdreg $0xFFFFFFFF  }
0xa8: {  	s28 =	simm.s32 $_size_execute0_lowered;
	s4 =	sadd.s32 s4, s6;
	[dreg:$0x0] =	wrdreg $0x0  }
0xa9: {  	s6 =	sshll.u32 s28, $0x1;
	[dreg:$0x2] =	wrdreg s4  }
0xaa: {  	[dreg:$0x3] =	wrdreg s6  }
0xab: {  	[dreg:$0x4] =	wrdreg $0xC0  }
0xac: {  	_ =	task [dreg:s8], $0x5FFFF  }
0xad: {  	[dreg:$0x1] =	wrdreg $0xFFFFFFFF  }
0xae: {  	[dreg:$0x0] =	wrdreg $0x60  }
0xaf: {  	[dreg:$0x2] =	wrdreg s24  }
0xb0: {  	[dreg:$0x3] =	wrdreg s2  }
0xb1: {  	[dreg:$0x4] =	wrdreg s18  }
0xb2: {  	[dreg:$0x5] =	wrdreg $0x9  }
0xb3: {  	_ =	task.clear_ibuf [dreg:s8], $0x6FFFF;
	_ =	strace $0x90000046  }
0xb4: {  	s29 =	simm.s32 $0x9;
	_ =	strace $0x80000048  }
0xb5: {  	_ =	swait.ge [sflag:s29], $0x1  }
0xb6: {  	[sflag:s29] =	ssyncadd.s32 $0xFFFFFFFF  }
0xb7: {  	_ =	strace $0x90000048  }
0xb8: {  	_ =	sfence  }
0xb9: {  	s30 =	sld [smem:$0x0];
	_ =	sdelay $0x2  }
0xba: {  	s31 =	sshll.u32 s1, $0xD;
	s1 =	sshrl.u32 s1, $0x2  }
0xbb: {  	s3 =	sand.u32 $0x4000, s31;
	s1 =	sadd.s32 s1, s30  }
0xbc: {  	s0 =	sor.u32 s3, s0;
	s1 =	sshll.u32 s1, $0x11  }
0xbd: {  	s0 =	sor.u32 s1, s0  }
0xbe: {  	s0 =	sadd.s32 $0x8F2B, s0  }
0xbf: {  	[sflag:s0] =	ssyncadd.remote.s32 $0x1  }
0xc0: {  	_ =	sfence.sel $0xFFFF  }
0xc1: {  	[dreg:$0x0] =	wrdreg $0xFFFFFFFF;
	(pc) =	sbr.abs _section_cstart, $3  }
0xc2: {  	[dreg:$0x1] =	wrdreg $0xFFFFFFFF  }
0xc3: {  	_ =	task.clear_ibuf [dreg:s8], $0x2FFFF;
	_ =	strace $0x9FFFFFFF  }
0xc4: {  	(tm) =	ssettm $0x7FFFFFFF  }
0xc5: {  	_ =	shalt  }
tec
execute0_lowered:
.L_overlay_start_1:
0x0: {  	(tag) =	ssettag $0x1  }
0x1: {  	s4 =	rddreg [dreg:$0x0];
	s1 =	srdreg.scid  }
0x2: {  	s0 =	stileid.u32;
	s2 =	rddreg [dreg:$0x1]  }
0x3: {  	s7 =	rddreg [dreg:$0x2];
	s3 =	simm.s32 $0x0;
	s14 =	simm.s32 $0x4500  }
0x4: {  	s16 =	simm.s32 $0x300;
	s15 =	simm.s32 $0x180;
	s17 =	simm.s32 $0xC500  }
0x5: {  	s18 =	simm.s32 $0x380;
	s19 =	simm.s32 $0xE500;
	s20 =	simm.s32 $0x400  }
0x6: {  	s21 =	simm.s32 $0x10500;
	s6 =	sand.u32 $0x1, s1;
	s22 =	sshll.u32 s0, $0x1  }
0x7: {  	[smem:$0x7FF] =	sst s3;
	s9 =	smul.u32 $0x32000, s0;
	s4 =	sadd.s32 $0x400, s4  }
0x8: {  	s25 =	smul.u32 $0x320000, s0;
	_ =	strace $0x80000047;
	[dreg:$0x6] =	wrdreg s16  }
0x9: {  	s1 =	simm.s32 $0x0;
	s5 =	sor.u32 s6, s22;
	[dreg:$0x7] =	wrdreg s17  }
0xa: {  	s23 =	ssub.s32 $0x2, s6;
	s10 =	smul.u32 $0x19000, s6;
	[dreg:$0x8] =	wrdreg s18  }
0xb: {  	s13 =	smul.u32 $0x190000, s6;
	s16 =	simm.s32 $0x6500;
	[dreg:$0x9] =	wrdreg s19  }
0xc: {  	s17 =	simm.s32 $0x200;
	s18 =	simm.s32 $0x8500;
	[dreg:$0xa] =	wrdreg s20  }
0xd: {  	s19 =	simm.s32 $0x280;
	s20 =	simm.s32 $0x1;
	[dreg:$0xb] =	wrdreg s21  }
0xe: {  	s22 =	simm.s32 $0x480;
	s21 =	simm.s32 $0x4;
	s8 =	smul.u32 $0x19000, s5  }
0xf: {  	s11 =	sshrl.u32 s23, $0x1;
	s29 =	sadd.s32 s25, s7;
	[dreg:$0xc] =	wrdreg s22  }
0x10: {  	s22 =	simm.s32 $0xA500;
	s25 =	simm.s32 $0x2;
	s11 =	ssub.s32 s23, s11  }
0x11: {  	s9 =	sadd.s32 s10, s9;
	s23 =	simm.s32 $0x12500;
	s12 =	sshrl.u32 s8, $0x3  }
0x12: {  	s8 =	sor.u32 $0x280, s8;
	s10 =	sshll.u32 s9, $0x4;
	s30 =	smax.u32 s11, $0x1  }
0x13: {  	s31 =	sor.u32 $0x780, s9;
	s9 =	simm.s32 $0x3;
	[dreg:$0xd] =	wrdreg s23  }
0x14: {  	s11 =	simm.s32 $0x500;
	s23 =	simm.s32 $0x40;
	[dreg:$0x10] =	wrdreg s30  }
0x15: {  	s24 =	sadd.s32 s2, s12;
	s8 =	sshrl.u32 s8, $0x3;
	[dreg:$0x11] =	wrdreg s31  }
0x16: {  	s10 =	sadd.s32 s10, s7;
	[dreg:$0xe] =	wrdreg s24;
	s26 =	sadd.s32 s2, s8  }
0x17: {  	s12 =	simm.s32 $0x2500;
	s28 =	sadd.s32 $0x2800, s10;
	[dreg:$0xf] =	wrdreg s26  }
0x18: {  	s10 =	sadd.s32 s13, s29;
	s13 =	simm.s32 $0x100;
	[dreg:$0x4] =	wrdreg s28  }
0x19: {  	s24 =	simm.s32 $0x5;
	[dreg:$0x5] =	wrdreg s10;
	s10 =	simm.s32 $0x80  }
.LBB2_1:
0x1a: {  	[dreg:$0x12] =	wrdreg s1  }
0x1b: {  	s0 =	rddreg [dreg:$0xe]  }
0x1c: {  	[tilespmem:s3], [sflag:$0x3] =	stream.linear.gather [hbm4b:s0+s3], $0x280, $0x38;
	[tilespmem:$0x14500] =	vst v63  }
0x1d: {  	_ =	swait.ge [sflag:s9], $0x280  }
0x1e: {  	[sflag:s9] =	ssyncset.done $0x0  }
0x1f: {  	[sflag:s9] =	ssyncadd.s32 $0xFFFFFD80  }
0x20: {  	[tilespmem:s11], [sflag:$0x1] =	stream.indirect.gather [hbm4b:s4+s10], $0x40, s3, s10, $0xb8;
	[tilespmem:$0x14500] =	vst v63  }
0x21: {  	_ = 	snop  }
0x22: {  	[tilespmem:s12], [sflag:$0x1] =	stream.indirect.gather [hbm4b:s4+s10], $0x40, s10, s10, $0xb8;
	[tilespmem:$0x14500] =	vst v63  }
0x23: {  	_ = 	snop  }
0x24: {  	[tilespmem:s14], [sflag:$0x1] =	stream.indirect.gather [hbm4b:s4+s10], $0x40, s13, s10, $0xb8;
	[tilespmem:$0x14500] =	vst v63  }
0x25: {  	_ = 	snop  }
0x26: {  	[tilespmem:s16], [sflag:$0x1] =	stream.indirect.gather [hbm4b:s4+s10], $0x40, s15, s10, $0xb8;
	[tilespmem:$0x14500] =	vst v63  }
0x27: {  	_ = 	snop  }
0x28: {  	[tilespmem:s18], [sflag:$0x1] =	stream.indirect.gather [hbm4b:s4+s10], $0x40, s17, s10, $0xb8;
	[tilespmem:$0x14500] =	vst v63  }
0x29: {  	s8 =	rddreg [dreg:$0xf]  }
0x2a: {  	[tilespmem:s19], [sflag:$0x4] =	stream.linear.gather [hbm4b:s8+s3], $0x280, $0x38;
	[tilespmem:$0x14500] =	vst v63  }
0x2b: {  	_ =	swait.ge [sflag:s20], $0xA000  }
0x2c: {  	[sflag:s20] =	ssyncset.done $0x0  }
0x2d: {  	[sflag:s20] =	ssyncadd.s32 $0xFFFF6000  }
0x2e: {  	_ =	swait.ge [sflag:s21], $0x280  }
0x2f: {  	s28 =	rddreg [dreg:$0x9]  }
0x30: {  	[sflag:s21] =	ssyncset.done $0x0;
	s29 =	rddreg [dreg:$0x6]  }
0x31: {  	s30 =	rddreg [dreg:$0x7];
	[sflag:s21] =	ssyncadd.s32 $0xFFFFFD80  }
0x32: {  	[tilespmem:s22], [sflag:$0x2] =	stream.indirect.gather [hbm4b:s4+s10], $0x40, s19, s10, $0xb8;
	[tilespmem:$0x14500] =	vst v63  }
0x33: {  	s31 =	rddreg [dreg:$0x8]  }
0x34: {  	[tilespmem:s30], [sflag:$0x2] =	stream.indirect.gather [hbm4b:s4+s10], $0x40, s29, s10, $0xb8;
	[tilespmem:$0x14500] =	vst v63  }
0x35: {  	s26 =	rddreg [dreg:$0x11]  }
0x36: {  	[tilespmem:s28], [sflag:$0x2] =	stream.indirect.gather [hbm4b:s4+s10], $0x40, s31, s10, $0xb8;
	[tilespmem:$0x14500] =	vst v63  }
0x37: {  	s29 =	rddreg [dreg:$0xb];
	s28 =	sadd.s32 $0xFFFFFD80, s26  }
0x38: {  	s30 =	rddreg [dreg:$0xa];
	p0 =	slt.s32 s28, $0x31FD80  }
0x39: {  	[tilespmem:s29], [sflag:$0x2] =	stream.indirect.gather [hbm4b:s4+s10], $0x40, s30, s10, $0xb8;
	[tilespmem:$0x14500] =	vst v63  }
0x3a: {  	s31 =	rddreg [dreg:$0xc];
	s28 =	simm.s32 @!p0 $0x31FD80  }
0x3b: {  	s29 =	rddreg [dreg:$0xd];
	s28 =	sshrl.u32 s28, $0x3  }
0x3c: {  	[tilespmem:s29], [sflag:$0x2] =	stream.indirect.gather [hbm4b:s4+s10], $0x40, s31, s10, $0xb8;
	[tilespmem:$0x14500] =	vst v63  }
0x3d: {  	s30 =	rddreg [dreg:$0x5];
	s28 =	sadd.s32 s2, s28  }
0x3e: {  	[tilespmem:s3], [sflag:$0x3] =	stream.linear.gather [hbm4b:s28+s3], $0x280, $0x38;
	[tilespmem:$0x14500] =	vst v63  }
0x3f: {  	s28 =	sadd.s32 $0x0, s30  }
0x40: {  	[hbm4b:s28+s23] =	stream.strided.scatter [tilespmem:s11], [sflag:$0x5], $0xA000, s10, s23, $0x38;
	[tilespmem:$0x14500] =	vst v63  }
0x41: {  	_ =	swait.ge [sflag:s24], $0xA000  }
0x42: {  	p0 =	slt.s32 s26, $0x31FD80;
	s29 =	smov.u32 s26;
	[sflag:s24] =	ssyncset.done $0x0  }
0x43: {  	s31 =	smov.u32 s26;
	s29 =	simm.s32 @!p0 $0x31FD80;
	[sflag:s24] =	ssyncadd.s32 $0xFFFF6000  }
0x44: {  	s30 =	simm.s32 $0x5000;
	s28 =	simm.s32 $0x0;
	_ =	swait.ge [sflag:s25], $0xA000  }
.LBB2_2:
0x45: {  	[sflag:s25] =	ssyncset.done $0x0  }
0x46: {  	[sflag:s25] =	ssyncadd.s32 $0xFFFF6000  }
0x47: {  	_ =	swait.ge [sflag:s9], $0x280  }
0x48: {  	[sflag:s9] =	ssyncset.done $0x0  }
0x49: {  	[sflag:s9] =	ssyncadd.s32 $0xFFFFFD80  }
0x4a: {  	[tilespmem:s11], [sflag:$0x1] =	stream.indirect.gather [hbm4b:s4+s10], $0x40, s3, s10, $0xb8;
	[tilespmem:$0x14500] =	vst v63  }
0x4b: {  	_ = 	snop  }
0x4c: {  	[tilespmem:s12], [sflag:$0x1] =	stream.indirect.gather [hbm4b:s4+s10], $0x40, s10, s10, $0xb8;
	[tilespmem:$0x14500] =	vst v63  }
0x4d: {  	_ = 	snop  }
0x4e: {  	[tilespmem:s14], [sflag:$0x1] =	stream.indirect.gather [hbm4b:s4+s10], $0x40, s13, s10, $0xb8;
	[tilespmem:$0x14500] =	vst v63  }
0x4f: {  	_ = 	snop  }
0x50: {  	[tilespmem:s16], [sflag:$0x1] =	stream.indirect.gather [hbm4b:s4+s10], $0x40, s15, s10, $0xb8;
	[tilespmem:$0x14500] =	vst v63  }
0x51: {  	s0 =	sshrl.u32 s29, $0x3  }
0x52: {  	[tilespmem:s18], [sflag:$0x1] =	stream.indirect.gather [hbm4b:s4+s10], $0x40, s17, s10, $0xb8;
	[tilespmem:$0x14500] =	vst v63  }
0x53: {  	s0 =	sadd.s32 s2, s0;
	s5 =	rddreg [dreg:$0x4]  }
0x54: {  	[tilespmem:s19], [sflag:$0x4] =	stream.linear.gather [hbm4b:s0+s3], $0x280, $0x38;
	[tilespmem:$0x14500] =	vst v63  }
0x55: {  	s7 =	sadd.s32 s28, s5  }
0x56: {  	[hbm4b:s7+s23] =	stream.strided.scatter [tilespmem:s22], [sflag:$0x5], $0xA000, s10, s23, $0x38;
	[tilespmem:$0x14500] =	vst v63  }
0x57: {  	_ =	swait.ge [sflag:s24], $0xA000  }
0x58: {  	[sflag:s24] =	ssyncset.done $0x0  }
0x59: {  	[sflag:s24] =	ssyncadd.s32 $0xFFFF6000  }
0x5a: {  	_ =	swait.ge [sflag:s20], $0xA000  }
0x5b: {  	[sflag:s20] =	ssyncset.done $0x0  }
0x5c: {  	[sflag:s20] =	ssyncadd.s32 $0xFFFF6000  }
0x5d: {  	s1 =	smov.u32 s30;
	_ =	swait.ge [sflag:s21], $0x280  }
0x5e: {  	s28 =	smov.u32 s1;
	s1 =	rddreg [dreg:$0xc]  }
0x5f: {  	s5 =	rddreg [dreg:$0xb]  }
0x60: {  	s31 =	sadd.s32 $0x500, s31;
	[sflag:s21] =	ssyncset.done $0x0;
	s6 =	rddreg [dreg:$0x9]  }
0x61: {  	p1 =	slt.s32 s31, $0x31FD80;
	s7 =	rddreg [dreg:$0x6];
	[sflag:s21] =	ssyncadd.s32 $0xFFFFFD80  }
0x62: {  	[tilespmem:s22], [sflag:$0x2] =	stream.indirect.gather [hbm4b:s4+s10], $0x40, s19, s10, $0xb8;
	[tilespmem:$0x14500] =	vst v63  }
0x63: {  	s29 =	smov.u32 s31;
	s0 =	sadd.s32 $0xFFFFFD80, s31;
	s8 =	rddreg [dreg:$0x7]  }
0x64: {  	[tilespmem:s8], [sflag:$0x2] =	stream.indirect.gather [hbm4b:s4+s10], $0x40, s7, s10, $0xb8;
	[tilespmem:$0x14500] =	vst v63  }
0x65: {  	s29 =	simm.s32 @!p1 $0x31FD80;
	p1 =	slt.s32 s0, $0x31FD80;
	s26 =	rddreg [dreg:$0x8]  }
0x66: {  	[tilespmem:s6], [sflag:$0x2] =	stream.indirect.gather [hbm4b:s4+s10], $0x40, s26, s10, $0xb8;
	[tilespmem:$0x14500] =	vst v63  }
0x67: {  	s0 =	simm.s32 @!p1 $0x31FD80;
	s8 =	rddreg [dreg:$0xa]  }
0x68: {  	[tilespmem:s5], [sflag:$0x2] =	stream.indirect.gather [hbm4b:s4+s10], $0x40, s8, s10, $0xb8;
	[tilespmem:$0x14500] =	vst v63  }
0x69: {  	s0 =	sshrl.u32 s0, $0x3;
	s26 =	rddreg [dreg:$0xd]  }
0x6a: {  	[tilespmem:s26], [sflag:$0x2] =	stream.indirect.gather [hbm4b:s4+s10], $0x40, s1, s10, $0xb8;
	[tilespmem:$0x14500] =	vst v63  }
0x6b: {  	s0 =	sadd.s32 s2, s0;
	s8 =	rddreg [dreg:$0x5]  }
0x6c: {  	[tilespmem:s3], [sflag:$0x3] =	stream.linear.gather [hbm4b:s0+s3], $0x280, $0x38;
	[tilespmem:$0x14500] =	vst v63  }
0x6d: {  	p0 =	sne.s32 s30, $0x18B000;
	s26 =	sadd.s32 s28, s8  }
0x6e: {  	[hbm4b:s26+s23] =	stream.strided.scatter [tilespmem:s11], [sflag:$0x5], $0xA000, s10, s23, $0x38;
	[tilespmem:$0x14500] =	vst v63  }
.Ltmp0:
0x6f: {  	_ = 	snop;
	(pc) =	sbr.rel @p0 .LBB2_2-.Ltmp0, $4  }
0x70: {  	_ =	swait.ge [sflag:s24], $0xA000  }
0x71: {  	[sflag:s24] =	ssyncset.done $0x0  }
0x72: {  	[sflag:s24] =	ssyncadd.s32 $0xFFFF6000  }
0x73: {  	s30 =	sadd.s32 $0x5000, s30;
	_ =	swait.ge [sflag:s25], $0xA000  }
0x74: {  	[sflag:s25] =	ssyncset.done $0x0  }
0x75: {  	[sflag:s25] =	ssyncadd.s32 $0xFFFF6000  }
0x76: {  	_ =	swait.ge [sflag:s9], $0x280  }
0x77: {  	[sflag:s9] =	ssyncset.done $0x0  }
0x78: {  	[sflag:s9] =	ssyncadd.s32 $0xFFFFFD80  }
0x79: {  	[tilespmem:s11], [sflag:$0x1] =	stream.indirect.gather [hbm4b:s4+s10], $0x40, s3, s10, $0xb8;
	[tilespmem:$0x14500] =	vst v63  }
0x7a: {  	_ = 	snop  }
0x7b: {  	[tilespmem:s12], [sflag:$0x1] =	stream.indirect.gather [hbm4b:s4+s10], $0x40, s10, s10, $0xb8;
	[tilespmem:$0x14500] =	vst v63  }
0x7c: {  	_ = 	snop  }
0x7d: {  	[tilespmem:s14], [sflag:$0x1] =	stream.indirect.gather [hbm4b:s4+s10], $0x40, s13, s10, $0xb8;
	[tilespmem:$0x14500] =	vst v63  }
0x7e: {  	_ = 	snop  }
0x7f: {  	[tilespmem:s16], [sflag:$0x1] =	stream.indirect.gather [hbm4b:s4+s10], $0x40, s15, s10, $0xb8;
	[tilespmem:$0x14500] =	vst v63  }
0x80: {  	s0 =	sshrl.u32 s29, $0x3  }
0x81: {  	[tilespmem:s18], [sflag:$0x1] =	stream.indirect.gather [hbm4b:s4+s10], $0x40, s17, s10, $0xb8;
	[tilespmem:$0x14500] =	vst v63  }
0x82: {  	s0 =	sadd.s32 s2, s0;
	s1 =	rddreg [dreg:$0x4]  }
0x83: {  	[tilespmem:s19], [sflag:$0x4] =	stream.linear.gather [hbm4b:s0+s3], $0x280, $0x38;
	[tilespmem:$0x14500] =	vst v63  }
0x84: {  	s29 =	sadd.s32 s28, s1  }
0x85: {  	[hbm4b:s29+s23] =	stream.strided.scatter [tilespmem:s22], [sflag:$0x5], $0xA000, s10, s23, $0x38;
	[tilespmem:$0x14500] =	vst v63  }
0x86: {  	_ =	swait.ge [sflag:s24], $0xA000  }
0x87: {  	[sflag:s24] =	ssyncset.done $0x0  }
0x88: {  	[sflag:s24] =	ssyncadd.s32 $0xFFFF6000  }
0x89: {  	_ =	swait.ge [sflag:s20], $0xA000  }
0x8a: {  	[sflag:s20] =	ssyncset.done $0x0  }
0x8b: {  	[sflag:s20] =	ssyncadd.s32 $0xFFFF6000  }
0x8c: {  	_ =	swait.ge [sflag:s21], $0x280  }
0x8d: {  	s30 =	rddreg [dreg:$0x12]  }
0x8e: {  	s31 =	rddreg [dreg:$0x10];
	s1 =	sadd.s32 $0x1, s30  }
0x8f: {  	p0 =	sne.s32 s1, s31  }
.Ltmp1:
0x90: {  	_ = 	snop;
	(pc) =	sbr.rel @p0 .LBB2_1-.Ltmp1, $3  }
0x91: {  	_ =	sdelay $0x1  }
0x92: {  	[sflag:s21] =	ssyncset.done $0x0  }
0x93: {  	[sflag:s21] =	ssyncadd.s32 $0xFFFFFD80  }
0x94: {  	_ =	sfence.sel $0x180000  }
0x95: {  	[bflag:$0x0] =	sbarrier.arrive $0xFFFF  }
0x96: {  	_ =	strace $0x90000047  }
0x97: {  	s0 =	stileid.u32;
	[bflag:$0x2] =	sbarrier.arrive $0xFFFF  }
0x98: {  	p0 =	sne.s32 s0, $0x0;
	s0 =	rddreg [dreg:$0x3]  }
0x99: {  	s0 =	sadd.s32 @!p0 $0x100000, s0  }
0x9a: {  	[sflag:s0] =	ssyncadd.tile.s32 @!p0 $0x1;
	_ =	shalt  }
.Lfunc_end2:
_tile_overlayer_lowered:
.L_overlay_start_2:
0x9b: {  	(tag) =	ssettag $0x2  }
0x9c: {  	s0 =	rddreg [dreg:$0x0];
	s2 =	stileid.u32  }
0x9d: {  	s1 =	rddreg [dreg:$0x1];
	p0 =	sne.s32 s2, $0x0  }
0x9e: {  	s3 =	rddreg [dreg:$0x2];
	[bflag:$0x3] =	sbarrier.arrive $0xFFFF;
	s2 =	simm.s32 @!p0 $0x1C05  }
0x9f: {  	[timem:s3], [sflag:s2] =	dma.local @!p0 [hbm:s0], s1  }
0xa0: {  	s0 =	simm.s32 @!p0 $0x5  }
0xa1: {  	_ =	swait.ge @!p0 [sflag:s0], s1  }
0xa2: {  	s1 =	ssub.s32 @!p0 $0x0, s1;
	[sflag:s0] =	ssyncset.done @!p0 $0x0  }
0xa3: {  	[sflag:s0] =	ssyncadd.s32 @!p0 s1  }
0xa4: {  	[bflag:$0x3] =	sbarrier.arrive $0xFFFF  }
0xa5: {  	_ =	shalt  }

</sc_bundles>
